<compile_context>
chip_gen: v7x
topology: tpu7x:2x2x1
jax: 0.10.2.dev20260603
libtpu: 0.0.44.dev20260713+nightly
codegen_flags: <defaults>
</compile_context>

<pallas_src>
import jax
import jax.numpy as jnp
from jax import lax
from jax.experimental import pallas as pl
from jax.experimental.pallas import tpu as pltpu

_TOPK = 2
_TM = 128


def _router_dispatch_body(x_ref, gw_ref, rw_ref, pp_ref, eid_ref, valid_ref):
    x = x_ref[...]
    gw = gw_ref[...]
    logits = lax.dot_general(x, gw, (((1,), (1,)), ((), ())),
                             preferred_element_type=jnp.float32)
    T, E = logits.shape
    lane = lax.broadcasted_iota(jnp.int32, logits.shape, 1)
    m1 = jnp.max(logits, axis=1, keepdims=True)
    i1 = jnp.min(jnp.where(logits == m1, lane, E), axis=1,
                 keepdims=True)
    masked = jnp.where(lane == i1, -jnp.inf, logits)
    m2 = jnp.max(masked, axis=1, keepdims=True)
    i2 = jnp.min(jnp.where(masked == m2, lane, E), axis=1, keepdims=True)
    e2 = jnp.exp(m2 - m1)
    denom = 1.0 + e2
    rw_ref[...] = jnp.concatenate([1.0 / denom, e2 / denom], axis=1)

    oh1 = (lane == i1).astype(jnp.float32)
    oh2 = (lane == i2).astype(jnp.float32)
    m = oh1 + oh2
    nb = T // _TM
    slt = (lax.broadcasted_iota(jnp.int32, (_TM, _TM), 1) <
           lax.broadcasted_iota(jnp.int32, (_TM, _TM), 0)).astype(
               jnp.float32)
    off = jnp.zeros((1, E), jnp.float32)
    parts = []
    for b in range(nb):
        blk = m[b * _TM:(b + 1) * _TM, :]
        within = lax.dot_general(slt, blk, (((1,), (0,)), ((), ())),
                                 preferred_element_type=jnp.float32)
        parts.append(within + off)
        off = off + jnp.sum(blk, axis=0, keepdims=True)
    pref_excl = jnp.concatenate(parts, axis=0)
    rank1 = jnp.sum(oh1 * pref_excl, axis=1, keepdims=True)
    rank2 = jnp.sum(oh2 * pref_excl, axis=1, keepdims=True)
    cnt_row = off

    tiles_before = jnp.int32(0)
    tile_starts = []
    ps1 = jnp.zeros((T, 1), jnp.float32)
    ps2 = jnp.zeros((T, 1), jnp.float32)
    for e in range(E):
        cnt = cnt_row[0, e].astype(jnp.int32)
        tile_starts.append(tiles_before)
        start_rows = (tiles_before * _TM).astype(jnp.float32)
        ps1 = ps1 + oh1[:, e:e + 1] * start_rows
        ps2 = ps2 + oh2[:, e:e + 1] * start_rows
        tiles_before = tiles_before + (cnt + _TM - 1) // _TM
    pp1 = (ps1 + rank1).astype(jnp.int32)
    pp2 = (ps2 + rank2).astype(jnp.int32)
    pp_ref[...] = jnp.concatenate([pp1, pp2], axis=1)

    total_tiles = tiles_before
    tid = lax.broadcasted_iota(jnp.int32, (1, 128), 1)
    eid = jnp.zeros((1, 128), jnp.int32)
    for e in range(1, E):
        eid = eid + (tid >= tile_starts[e]).astype(jnp.int32)
    eid_ref[...] = eid
    valid_ref[...] = (tid < total_tiles).astype(jnp.int32)


def _router_dispatch(x, gate_w):
    T, _ = x.shape
    return pl.pallas_call(
        _router_dispatch_body,
        out_shape=(
            jax.ShapeDtypeStruct((T, _TOPK), jnp.float32),
            jax.ShapeDtypeStruct((T, _TOPK), jnp.int32),
            jax.ShapeDtypeStruct((1, 128), jnp.int32),
            jax.ShapeDtypeStruct((1, 128), jnp.int32),
        ),
    )(x, gate_w)


def _moe_tile_body(eid_sref, valid_sref, xs_ref, w1_ref, w3_ref, w2_ref,
                   y_ref):
    i = pl.program_id(0)

    @pl.when(valid_sref[0, i] == 1)
    def _():
        xt = xs_ref[...]
        w1e = w1_ref[0]
        w3e = w3_ref[0]
        w2e = w2_ref[0]
        g = lax.dot_general(xt, w1e, (((1,), (1,)), ((), ())),
                            preferred_element_type=jnp.float32)
        u = lax.dot_general(xt, w3e, (((1,), (1,)), ((), ())),
                            preferred_element_type=jnp.float32)
        h = (g * jax.nn.sigmoid(g)) * u
        y_ref[...] = lax.dot_general(h, w2e, (((1,), (1,)), ((), ())),
                                     preferred_element_type=jnp.float32)


def _grouped_mlp(xs, w1, w3, w2, eid, valid, NT):
    _, F, D = w1.shape
    grid_spec = pltpu.PrefetchScalarGridSpec(
        num_scalar_prefetch=2,
        grid=(NT,),
        in_specs=[
            pl.BlockSpec((_TM, D), lambda i, e, v: (i, 0)),
            pl.BlockSpec((1, F, D), lambda i, e, v: (e[0, i], 0, 0)),
            pl.BlockSpec((1, F, D), lambda i, e, v: (e[0, i], 0, 0)),
            pl.BlockSpec((1, D, F), lambda i, e, v: (e[0, i], 0, 0)),
        ],
        out_specs=pl.BlockSpec((_TM, D), lambda i, e, v: (i, 0)),
    )
    return pl.pallas_call(
        _moe_tile_body,
        grid_spec=grid_spec,
        out_shape=jax.ShapeDtypeStruct((NT * _TM, D), jnp.float32),
    )(eid, valid, xs, w1, w3, w2)


def kernel(hidden_states, gate_w, w1, w3, w2):
    orig_shape = hidden_states.shape
    D = orig_shape[-1]
    x = hidden_states.reshape(-1, D)
    T = x.shape[0]
    E = gate_w.shape[0]
    N = T * _TOPK
    NT = N // _TM + E

    rw, pp, eid, valid = _router_dispatch(x, gate_w)
    pad_pos = pp.reshape(-1)
    tok = jnp.arange(N, dtype=jnp.int32) // _TOPK
    tok_padded = jnp.zeros((NT * _TM,), jnp.int32).at[pad_pos].set(tok)

    xs = jnp.take(x, tok_padded, axis=0)
    y = _grouped_mlp(xs, w1, w3, w2, eid, valid, NT)

    out = (jnp.take(y, pp[:, 0], axis=0) * rw[:, 0:1]
           + jnp.take(y, pp[:, 1], axis=0) * rw[:, 1:2])
    return out.reshape(orig_shape)

# --- scband reference (transcript-rebuilt; emitter-appended) ---
"""Pipeline reference for scband-qwen3-mo-e-11854109737682 (READ-ONLY COPY).

The authoritative reference and input builder live on the scoring server;
editing this copy changes nothing except your own understanding.
"""

import jax, jax.numpy as jnp
import numpy as np

TOP_K = 2

def setup_inputs(seed: int = 0) -> dict:
    key = jax.random.key(seed)
    ks = jax.random.split(key, 5)
    B, S, D, F, E = 1, 2048, 1024, 768, 8
    hidden_states = jax.random.normal(ks[0], (B, S, D), dtype=jnp.float32)
    gate_w = jax.random.normal(ks[1], (E, D), dtype=jnp.float32) * 0.02
    w1 = jax.random.normal(ks[2], (E, F, D), dtype=jnp.float32) * 0.02  # gate_proj per expert
    w3 = jax.random.normal(ks[3], (E, F, D), dtype=jnp.float32) * 0.02  # up_proj per expert
    w2 = jax.random.normal(ks[4], (E, D, F), dtype=jnp.float32) * 0.02  # down_proj per expert
    return {"hidden_states": hidden_states, "gate_w": gate_w, "w1": w1, "w3": w3, "w2": w2}

def reference(hidden_states, gate_w, w1, w3, w2):
    orig_shape = hidden_states.shape
    D = orig_shape[-1]
    x = hidden_states.reshape(-1, D)                     # [T, D]
    # Qwen3Gate: logits = hidden_states @ weight.T
    logits = x @ gate_w.T                                # [T, E]
    T, E = logits.shape
    # RenormalizeMoeRoutingMethod: top-k over raw logits, softmax over selected logits
    topv, topi = jax.lax.top_k(logits, TOP_K)            # [T, k]
    routing_w = jax.nn.softmax(topv, axis=-1)            # [T, k]
    # dense combine weights [T, E] via scatter-add
    combine = jnp.zeros((T, E), dtype=x.dtype).at[jnp.arange(T)[:, None], topi].add(routing_w)
    # experts: SwiGLU MLP per expert, weighted combine
    def expert(e):
        g = x @ w1[e].T                                  # [T, F]
        u = x @ w3[e].T                                  # [T, F]
        h = jax.nn.silu(g) * u
        return h @ w2[e].T                               # [T, D]
    outs = jnp.stack([expert(e) for e in range(w1.shape[0])], axis=1)  # [T, E, D]
    out = jnp.einsum('te,ted->td', combine, outs)        # [T, D]
    return out.reshape(orig_shape)

if __name__ == "__main__":
    import jax
    _d = setup_inputs()
    print(jax.jit(kernel)(*tuple(_d.values())))

</pallas_src>

<mosaic_0001>
module attributes {stable_mosaic.version = 14 : i64} {
  func.func @_router_dispatch_body(%arg0: memref<2048x1024xf32, #tpu.memory_space<vmem>>, %arg1: memref<8x1024xf32, #tpu.memory_space<vmem>>, %arg2: memref<2048x2xf32, #tpu.memory_space<vmem>>, %arg3: memref<2048x2xi32, #tpu.memory_space<vmem>>, %arg4: memref<1x128xi32, #tpu.memory_space<vmem>>, %arg5: memref<1x128xi32, #tpu.memory_space<vmem>>) attributes {dimension_semantics = [], scalar_prefetch = 0 : i64, scratch_operands = 0 : i64, tpu.core_type = #tpu.core_type<tc>} {
    %get3A = arith.constant 0 : index
    %get3A_0 = arith.constant 0 : index
    %get3A_1 = vector.load %arg0[%get3A, %get3A_0] : memref<2048x1024xf32, #tpu.memory_space<vmem>>, vector<2048x1024xf32>
    %get3A_2 = arith.constant 0 : index
    %get3A_3 = arith.constant 0 : index
    %get3A_4 = vector.load %arg1[%get3A_2, %get3A_3] : memref<8x1024xf32, #tpu.memory_space<vmem>>, vector<8x1024xf32>
    %dot_general3A = arith.constant dense<0.000000e+00> : vector<2048x8xf32>
    %dot_general3A_5 = tpu.matmul %get3A_1, %get3A_4, %dot_general3A {dimension_numbers = #tpu.dot_dimension_numbers<[1], [1], [0], [0], [0, 0, 1, 0], [], []>, transpose_lhs_hint = false} : vector<2048x1024xf32>, vector<8x1024xf32>, vector<2048x8xf32> -> vector<2048x8xf32>
    %iota3A = tpu.iota {dimensions = array<i32: 1>} : vector<2048x8xi32>
    %reduce_max3A = arith.constant dense<0xFF800000> : vector<2048xf32>
    %reduce_max3A_6 = vector.multi_reduction <maximumf>, %dot_general3A_5, %reduce_max3A [1] : vector<2048x8xf32> to vector<2048xf32>
    %broadcast_in_dim3A = vector.shape_cast %reduce_max3A_6 : vector<2048xf32> to vector<2048x1xf32>
    %eq3A = vector.broadcast %broadcast_in_dim3A : vector<2048x1xf32> to vector<2048x8xf32>
    %eq3A_7 = arith.cmpf oeq, %dot_general3A_5, %eq3A : vector<2048x8xf32>
    %jit3A = arith.constant 8 : i32
    %broadcast_in_dim3A_8 = vector.broadcast %jit3A : i32 to vector<2048x8xi32>
    %select_n3A = arith.select %eq3A_7, %iota3A, %broadcast_in_dim3A_8 : vector<2048x8xi1>, vector<2048x8xi32>
    %reduce_min3A = arith.constant dense<2147483647> : vector<2048xi32>
    %reduce_min3A_9 = vector.multi_reduction <minsi>, %select_n3A, %reduce_min3A [1] : vector<2048x8xi32> to vector<2048xi32>
    %broadcast_in_dim3A_10 = vector.shape_cast %reduce_min3A_9 : vector<2048xi32> to vector<2048x1xi32>
    %eq3A_11 = vector.broadcast %broadcast_in_dim3A_10 : vector<2048x1xi32> to vector<2048x8xi32>
    %eq3A_12 = arith.cmpi eq, %iota3A, %eq3A_11 : vector<2048x8xi32>
    %jit3A_13 = arith.constant 0xFF800000 : f32
    %broadcast_in_dim3A_14 = vector.broadcast %jit3A_13 : f32 to vector<2048x8xf32>
    %select_n3A_15 = arith.select %eq3A_12, %broadcast_in_dim3A_14, %dot_general3A_5 : vector<2048x8xi1>, vector<2048x8xf32>
    %reduce_max3A_16 = arith.constant dense<0xFF800000> : vector<2048xf32>
    %reduce_max3A_17 = vector.multi_reduction <maximumf>, %select_n3A_15, %reduce_max3A_16 [1] : vector<2048x8xf32> to vector<2048xf32>
    %broadcast_in_dim3A_18 = vector.shape_cast %reduce_max3A_17 : vector<2048xf32> to vector<2048x1xf32>
    %eq3A_19 = vector.broadcast %broadcast_in_dim3A_18 : vector<2048x1xf32> to vector<2048x8xf32>
    %eq3A_20 = arith.cmpf oeq, %select_n3A_15, %eq3A_19 : vector<2048x8xf32>
    %jit3A_21 = arith.constant 8 : i32
    %broadcast_in_dim3A_22 = vector.broadcast %jit3A_21 : i32 to vector<2048x8xi32>
    %select_n3A_23 = arith.select %eq3A_20, %iota3A, %broadcast_in_dim3A_22 : vector<2048x8xi1>, vector<2048x8xi32>
    %reduce_min3A_24 = arith.constant dense<2147483647> : vector<2048xi32>
    %reduce_min3A_25 = vector.multi_reduction <minsi>, %select_n3A_23, %reduce_min3A_24 [1] : vector<2048x8xi32> to vector<2048xi32>
    %broadcast_in_dim3A_26 = vector.shape_cast %reduce_min3A_25 : vector<2048xi32> to vector<2048x1xi32>
    %sub3A = arith.subf %broadcast_in_dim3A_18, %broadcast_in_dim3A : vector<2048x1xf32>
    %exp3A = math.exp %sub3A : vector<2048x1xf32>
    %add3A = arith.constant 1.000000e+00 : f32
    %add3A_27 = vector.broadcast %add3A : f32 to vector<2048x1xf32>
    %add3A_28 = arith.addf %add3A_27, %exp3A : vector<2048x1xf32>
    %div3A = arith.constant 1.000000e+00 : f32
    %div3A_29 = vector.broadcast %div3A : f32 to vector<2048x1xf32>
    %div3A_30 = arith.divf %div3A_29, %add3A_28 : vector<2048x1xf32>
    %div3A_31 = arith.divf %exp3A, %add3A_28 : vector<2048x1xf32>
    %concatenate3A = tpu.concatenate %div3A_30, %div3A_31 in 1 : vector<2048x1xf32>, vector<2048x1xf32> -> vector<2048x2xf32>
    %swap3A = arith.constant 0 : index
    %swap3A_32 = arith.constant 0 : index
    %swap3A_33 = vector.load %arg2[%swap3A, %swap3A_32] : memref<2048x2xf32, #tpu.memory_space<vmem>>, vector<2048x2xf32>
    tpu.vector_store %arg2[%swap3A, %swap3A_32], %concatenate3A {strides = array<i32>} : memref<2048x2xf32, #tpu.memory_space<vmem>>, vector<2048x2xf32>,
    %eq3A_34 = vector.broadcast %broadcast_in_dim3A_10 : vector<2048x1xi32> to vector<2048x8xi32>
    %eq3A_35 = arith.cmpi eq, %iota3A, %eq3A_34 : vector<2048x8xi32>
    %convert_element_type3A = arith.extui %eq3A_35 : vector<2048x8xi1> to vector<2048x8xi32>
    %convert_element_type3A_36 = arith.sitofp %convert_element_type3A : vector<2048x8xi32> to vector<2048x8xf32>
    %eq3A_37 = vector.broadcast %broadcast_in_dim3A_26 : vector<2048x1xi32> to vector<2048x8xi32>
    %eq3A_38 = arith.cmpi eq, %iota3A, %eq3A_37 : vector<2048x8xi32>
    %convert_element_type3A_39 = arith.extui %eq3A_38 : vector<2048x8xi1> to vector<2048x8xi32>
    %convert_element_type3A_40 = arith.sitofp %convert_element_type3A_39 : vector<2048x8xi32> to vector<2048x8xf32>
    %add3A_41 = arith.addf %convert_element_type3A_36, %convert_element_type3A_40 : vector<2048x8xf32>
    %iota3A_42 = tpu.iota {dimensions = array<i32: 1>} : vector<128x128xi32>
    %iota3A_43 = tpu.iota {dimensions = array<i32: 0>} : vector<128x128xi32>
    %lt3A = arith.cmpi slt, %iota3A_42, %iota3A_43 : vector<128x128xi32>
    %convert_element_type3A_44 = arith.extui %lt3A : vector<128x128xi1> to vector<128x128xi32>
    %convert_element_type3A_45 = arith.sitofp %convert_element_type3A_44 : vector<128x128xi32> to vector<128x128xf32>
    %broadcast_in_dim3A_46 = arith.constant 0.000000e+00 : f32
    %broadcast_in_dim3A_47 = vector.broadcast %broadcast_in_dim3A_46 : f32 to vector<1x8xf32>
    %slice3A = vector.extract_strided_slice %add3A_41 {offsets = [0, 0], sizes = [128, 8], strides = [1, 1]} : vector<2048x8xf32> to vector<128x8xf32>
    %dot_general3A_48 = arith.constant dense<0.000000e+00> : vector<128x8xf32>
    %dot_general3A_49 = tpu.matmul %convert_element_type3A_45, %slice3A, %dot_general3A_48 {dimension_numbers = #tpu.dot_dimension_numbers<[1], [0], [0], [1], [0, 0, 1, 1], [], []>, transpose_lhs_hint = false} : vector<128x128xf32>, vector<128x8xf32>, vector<128x8xf32> -> vector<128x8xf32>
    %add3A_50 = vector.broadcast %broadcast_in_dim3A_47 : vector<1x8xf32> to vector<128x8xf32>
    %add3A_51 = arith.addf %dot_general3A_49, %add3A_50 : vector<128x8xf32>
    %reduce_sum3A = arith.constant dense<0.000000e+00> : vector<8xf32>
    %reduce_sum3A_52 = vector.multi_reduction <add>, %slice3A, %reduce_sum3A [0] : vector<128x8xf32> to vector<8xf32>
    %broadcast_in_dim3A_53 = vector.shape_cast %reduce_sum3A_52 : vector<8xf32> to vector<1x8xf32>
    %add3A_54 = arith.addf %broadcast_in_dim3A_47, %broadcast_in_dim3A_53 : vector<1x8xf32>
    %slice3A_55 = vector.extract_strided_slice %add3A_41 {offsets = [128, 0], sizes = [128, 8], strides = [1, 1]} : vector<2048x8xf32> to vector<128x8xf32>
    %dot_general3A_56 = arith.constant dense<0.000000e+00> : vector<128x8xf32>
    %dot_general3A_57 = tpu.matmul %convert_element_type3A_45, %slice3A_55, %dot_general3A_56 {dimension_numbers = #tpu.dot_dimension_numbers<[1], [0], [0], [1], [0, 0, 1, 1], [], []>, transpose_lhs_hint = false} : vector<128x128xf32>, vector<128x8xf32>, vector<128x8xf32> -> vector<128x8xf32>
    %add3A_58 = vector.broadcast %add3A_54 : vector<1x8xf32> to vector<128x8xf32>
    %add3A_59 = arith.addf %dot_general3A_57, %add3A_58 : vector<128x8xf32>
    %reduce_sum3A_60 = arith.constant dense<0.000000e+00> : vector<8xf32>
    %reduce_sum3A_61 = vector.multi_reduction <add>, %slice3A_55, %reduce_sum3A_60 [0] : vector<128x8xf32> to vector<8xf32>
    %broadcast_in_dim3A_62 = vector.shape_cast %reduce_sum3A_61 : vector<8xf32> to vector<1x8xf32>
    %add3A_63 = arith.addf %add3A_54, %broadcast_in_dim3A_62 : vector<1x8xf32>
    %slice3A_64 = vector.extract_strided_slice %add3A_41 {offsets = [256, 0], sizes = [128, 8], strides = [1, 1]} : vector<2048x8xf32> to vector<128x8xf32>
    %dot_general3A_65 = arith.constant dense<0.000000e+00> : vector<128x8xf32>
    %dot_general3A_66 = tpu.matmul %convert_element_type3A_45, %slice3A_64, %dot_general3A_65 {dimension_numbers = #tpu.dot_dimension_numbers<[1], [0], [0], [1], [0, 0, 1, 1], [], []>, transpose_lhs_hint = false} : vector<128x128xf32>, vector<128x8xf32>, vector<128x8xf32> -> vector<128x8xf32>
    %add3A_67 = vector.broadcast %add3A_63 : vector<1x8xf32> to vector<128x8xf32>
    %add3A_68 = arith.addf %dot_general3A_66, %add3A_67 : vector<128x8xf32>
    %reduce_sum3A_69 = arith.constant dense<0.000000e+00> : vector<8xf32>
    %reduce_sum3A_70 = vector.multi_reduction <add>, %slice3A_64, %reduce_sum3A_69 [0] : vector<128x8xf32> to vector<8xf32>
    %broadcast_in_dim3A_71 = vector.shape_cast %reduce_sum3A_70 : vector<8xf32> to vector<1x8xf32>
    %add3A_72 = arith.addf %add3A_63, %broadcast_in_dim3A_71 : vector<1x8xf32>
    %slice3A_73 = vector.extract_strided_slice %add3A_41 {offsets = [384, 0], sizes = [128, 8], strides = [1, 1]} : vector<2048x8xf32> to vector<128x8xf32>
    %dot_general3A_74 = arith.constant dense<0.000000e+00> : vector<128x8xf32>
    %dot_general3A_75 = tpu.matmul %convert_element_type3A_45, %slice3A_73, %dot_general3A_74 {dimension_numbers = #tpu.dot_dimension_numbers<[1], [0], [0], [1], [0, 0, 1, 1], [], []>, transpose_lhs_hint = false} : vector<128x128xf32>, vector<128x8xf32>, vector<128x8xf32> -> vector<128x8xf32>
    %add3A_76 = vector.broadcast %add3A_72 : vector<1x8xf32> to vector<128x8xf32>
    %add3A_77 = arith.addf %dot_general3A_75, %add3A_76 : vector<128x8xf32>
    %reduce_sum3A_78 = arith.constant dense<0.000000e+00> : vector<8xf32>
    %reduce_sum3A_79 = vector.multi_reduction <add>, %slice3A_73, %reduce_sum3A_78 [0] : vector<128x8xf32> to vector<8xf32>
    %broadcast_in_dim3A_80 = vector.shape_cast %reduce_sum3A_79 : vector<8xf32> to vector<1x8xf32>
    %add3A_81 = arith.addf %add3A_72, %broadcast_in_dim3A_80 : vector<1x8xf32>
    %slice3A_82 = vector.extract_strided_slice %add3A_41 {offsets = [512, 0], sizes = [128, 8], strides = [1, 1]} : vector<2048x8xf32> to vector<128x8xf32>
    %dot_general3A_83 = arith.constant dense<0.000000e+00> : vector<128x8xf32>
    %dot_general3A_84 = tpu.matmul %convert_element_type3A_45, %slice3A_82, %dot_general3A_83 {dimension_numbers = #tpu.dot_dimension_numbers<[1], [0], [0], [1], [0, 0, 1, 1], [], []>, transpose_lhs_hint = false} : vector<128x128xf32>, vector<128x8xf32>, vector<128x8xf32> -> vector<128x8xf32>
    %add3A_85 = vector.broadcast %add3A_81 : vector<1x8xf32> to vector<128x8xf32>
    %add3A_86 = arith.addf %dot_general3A_84, %add3A_85 : vector<128x8xf32>
    %reduce_sum3A_87 = arith.constant dense<0.000000e+00> : vector<8xf32>
    %reduce_sum3A_88 = vector.multi_reduction <add>, %slice3A_82, %reduce_sum3A_87 [0] : vector<128x8xf32> to vector<8xf32>
    %broadcast_in_dim3A_89 = vector.shape_cast %reduce_sum3A_88 : vector<8xf32> to vector<1x8xf32>
    %add3A_90 = arith.addf %add3A_81, %broadcast_in_dim3A_89 : vector<1x8xf32>
    %slice3A_91 = vector.extract_strided_slice %add3A_41 {offsets = [640, 0], sizes = [128, 8], strides = [1, 1]} : vector<2048x8xf32> to vector<128x8xf32>
    %dot_general3A_92 = arith.constant dense<0.000000e+00> : vector<128x8xf32>
    %dot_general3A_93 = tpu.matmul %convert_element_type3A_45, %slice3A_91, %dot_general3A_92 {dimension_numbers = #tpu.dot_dimension_numbers<[1], [0], [0], [1], [0, 0, 1, 1], [], []>, transpose_lhs_hint = false} : vector<128x128xf32>, vector<128x8xf32>, vector<128x8xf32> -> vector<128x8xf32>
    %add3A_94 = vector.broadcast %add3A_90 : vector<1x8xf32> to vector<128x8xf32>
    %add3A_95 = arith.addf %dot_general3A_93, %add3A_94 : vector<128x8xf32>
    %reduce_sum3A_96 = arith.constant dense<0.000000e+00> : vector<8xf32>
    %reduce_sum3A_97 = vector.multi_reduction <add>, %slice3A_91, %reduce_sum3A_96 [0] : vector<128x8xf32> to vector<8xf32>
    %broadcast_in_dim3A_98 = vector.shape_cast %reduce_sum3A_97 : vector<8xf32> to vector<1x8xf32>
    %add3A_99 = arith.addf %add3A_90, %broadcast_in_dim3A_98 : vector<1x8xf32>
    %slice3A_100 = vector.extract_strided_slice %add3A_41 {offsets = [768, 0], sizes = [128, 8], strides = [1, 1]} : vector<2048x8xf32> to vector<128x8xf32>
    %dot_general3A_101 = arith.constant dense<0.000000e+00> : vector<128x8xf32>
    %dot_general3A_102 = tpu.matmul %convert_element_type3A_45, %slice3A_100, %dot_general3A_101 {dimension_numbers = #tpu.dot_dimension_numbers<[1], [0], [0], [1], [0, 0, 1, 1], [], []>, transpose_lhs_hint = false} : vector<128x128xf32>, vector<128x8xf32>, vector<128x8xf32> -> vector<128x8xf32>
    %add3A_103 = vector.broadcast %add3A_99 : vector<1x8xf32> to vector<128x8xf32>
    %add3A_104 = arith.addf %dot_general3A_102, %add3A_103 : vector<128x8xf32>
    %reduce_sum3A_105 = arith.constant dense<0.000000e+00> : vector<8xf32>
    %reduce_sum3A_106 = vector.multi_reduction <add>, %slice3A_100, %reduce_sum3A_105 [0] : vector<128x8xf32> to vector<8xf32>
    %broadcast_in_dim3A_107 = vector.shape_cast %reduce_sum3A_106 : vector<8xf32> to vector<1x8xf32>
    %add3A_108 = arith.addf %add3A_99, %broadcast_in_dim3A_107 : vector<1x8xf32>
    %slice3A_109 = vector.extract_strided_slice %add3A_41 {offsets = [896, 0], sizes = [128, 8], strides = [1, 1]} : vector<2048x8xf32> to vector<128x8xf32>
    %dot_general3A_110 = arith.constant dense<0.000000e+00> : vector<128x8xf32>
    %dot_general3A_111 = tpu.matmul %convert_element_type3A_45, %slice3A_109, %dot_general3A_110 {dimension_numbers = #tpu.dot_dimension_numbers<[1], [0], [0], [1], [0, 0, 1, 1], [], []>, transpose_lhs_hint = false} : vector<128x128xf32>, vector<128x8xf32>, vector<128x8xf32> -> vector<128x8xf32>
    %add3A_112 = vector.broadcast %add3A_108 : vector<1x8xf32> to vector<128x8xf32>
    %add3A_113 = arith.addf %dot_general3A_111, %add3A_112 : vector<128x8xf32>
    %reduce_sum3A_114 = arith.constant dense<0.000000e+00> : vector<8xf32>
    %reduce_sum3A_115 = vector.multi_reduction <add>, %slice3A_109, %reduce_sum3A_114 [0] : vector<128x8xf32> to vector<8xf32>
    %broadcast_in_dim3A_116 = vector.shape_cast %reduce_sum3A_115 : vector<8xf32> to vector<1x8xf32>
    %add3A_117 = arith.addf %add3A_108, %broadcast_in_dim3A_116 : vector<1x8xf32>
    %slice3A_118 = vector.extract_strided_slice %add3A_41 {offsets = [1024, 0], sizes = [128, 8], strides = [1, 1]} : vector<2048x8xf32> to vector<128x8xf32>
    %dot_general3A_119 = arith.constant dense<0.000000e+00> : vector<128x8xf32>
    %dot_general3A_120 = tpu.matmul %convert_element_type3A_45, %slice3A_118, %dot_general3A_119 {dimension_numbers = #tpu.dot_dimension_numbers<[1], [0], [0], [1], [0, 0, 1, 1], [], []>, transpose_lhs_hint = false} : vector<128x128xf32>, vector<128x8xf32>, vector<128x8xf32> -> vector<128x8xf32>
    %add3A_121 = vector.broadcast %add3A_117 : vector<1x8xf32> to vector<128x8xf32>
    %add3A_122 = arith.addf %dot_general3A_120, %add3A_121 : vector<128x8xf32>
    %reduce_sum3A_123 = arith.constant dense<0.000000e+00> : vector<8xf32>
    %reduce_sum3A_124 = vector.multi_reduction <add>, %slice3A_118, %reduce_sum3A_123 [0] : vector<128x8xf32> to vector<8xf32>
    %broadcast_in_dim3A_125 = vector.shape_cast %reduce_sum3A_124 : vector<8xf32> to vector<1x8xf32>
    %add3A_126 = arith.addf %add3A_117, %broadcast_in_dim3A_125 : vector<1x8xf32>
    %slice3A_127 = vector.extract_strided_slice %add3A_41 {offsets = [1152, 0], sizes = [128, 8], strides = [1, 1]} : vector<2048x8xf32> to vector<128x8xf32>
    %dot_general3A_128 = arith.constant dense<0.000000e+00> : vector<128x8xf32>
    %dot_general3A_129 = tpu.matmul %convert_element_type3A_45, %slice3A_127, %dot_general3A_128 {dimension_numbers = #tpu.dot_dimension_numbers<[1], [0], [0], [1], [0, 0, 1, 1], [], []>, transpose_lhs_hint = false} : vector<128x128xf32>, vector<128x8xf32>, vector<128x8xf32> -> vector<128x8xf32>
    %add3A_130 = vector.broadcast %add3A_126 : vector<1x8xf32> to vector<128x8xf32>
    %add3A_131 = arith.addf %dot_general3A_129, %add3A_130 : vector<128x8xf32>
    %reduce_sum3A_132 = arith.constant dense<0.000000e+00> : vector<8xf32>
    %reduce_sum3A_133 = vector.multi_reduction <add>, %slice3A_127, %reduce_sum3A_132 [0] : vector<128x8xf32> to vector<8xf32>
    %broadcast_in_dim3A_134 = vector.shape_cast %reduce_sum3A_133 : vector<8xf32> to vector<1x8xf32>
    %add3A_135 = arith.addf %add3A_126, %broadcast_in_dim3A_134 : vector<1x8xf32>
    %slice3A_136 = vector.extract_strided_slice %add3A_41 {offsets = [1280, 0], sizes = [128, 8], strides = [1, 1]} : vector<2048x8xf32> to vector<128x8xf32>
    %dot_general3A_137 = arith.constant dense<0.000000e+00> : vector<128x8xf32>
    %dot_general3A_138 = tpu.matmul %convert_element_type3A_45, %slice3A_136, %dot_general3A_137 {dimension_numbers = #tpu.dot_dimension_numbers<[1], [0], [0], [1], [0, 0, 1, 1], [], []>, transpose_lhs_hint = false} : vector<128x128xf32>, vector<128x8xf32>, vector<128x8xf32> -> vector<128x8xf32>
    %add3A_139 = vector.broadcast %add3A_135 : vector<1x8xf32> to vector<128x8xf32>
    %add3A_140 = arith.addf %dot_general3A_138, %add3A_139 : vector<128x8xf32>
    %reduce_sum3A_141 = arith.constant dense<0.000000e+00> : vector<8xf32>
    %reduce_sum3A_142 = vector.multi_reduction <add>, %slice3A_136, %reduce_sum3A_141 [0] : vector<128x8xf32> to vector<8xf32>
    %broadcast_in_dim3A_143 = vector.shape_cast %reduce_sum3A_142 : vector<8xf32> to vector<1x8xf32>
    %add3A_144 = arith.addf %add3A_135, %broadcast_in_dim3A_143 : vector<1x8xf32>
    %slice3A_145 = vector.extract_strided_slice %add3A_41 {offsets = [1408, 0], sizes = [128, 8], strides = [1, 1]} : vector<2048x8xf32> to vector<128x8xf32>
    %dot_general3A_146 = arith.constant dense<0.000000e+00> : vector<128x8xf32>
    %dot_general3A_147 = tpu.matmul %convert_element_type3A_45, %slice3A_145, %dot_general3A_146 {dimension_numbers = #tpu.dot_dimension_numbers<[1], [0], [0], [1], [0, 0, 1, 1], [], []>, transpose_lhs_hint = false} : vector<128x128xf32>, vector<128x8xf32>, vector<128x8xf32> -> vector<128x8xf32>
    %add3A_148 = vector.broadcast %add3A_144 : vector<1x8xf32> to vector<128x8xf32>
    %add3A_149 = arith.addf %dot_general3A_147, %add3A_148 : vector<128x8xf32>
    %reduce_sum3A_150 = arith.constant dense<0.000000e+00> : vector<8xf32>
    %reduce_sum3A_151 = vector.multi_reduction <add>, %slice3A_145, %reduce_sum3A_150 [0] : vector<128x8xf32> to vector<8xf32>
    %broadcast_in_dim3A_152 = vector.shape_cast %reduce_sum3A_151 : vector<8xf32> to vector<1x8xf32>
    %add3A_153 = arith.addf %add3A_144, %broadcast_in_dim3A_152 : vector<1x8xf32>
    %slice3A_154 = vector.extract_strided_slice %add3A_41 {offsets = [1536, 0], sizes = [128, 8], strides = [1, 1]} : vector<2048x8xf32> to vector<128x8xf32>
    %dot_general3A_155 = arith.constant dense<0.000000e+00> : vector<128x8xf32>
    %dot_general3A_156 = tpu.matmul %convert_element_type3A_45, %slice3A_154, %dot_general3A_155 {dimension_numbers = #tpu.dot_dimension_numbers<[1], [0], [0], [1], [0, 0, 1, 1], [], []>, transpose_lhs_hint = false} : vector<128x128xf32>, vector<128x8xf32>, vector<128x8xf32> -> vector<128x8xf32>
    %add3A_157 = vector.broadcast %add3A_153 : vector<1x8xf32> to vector<128x8xf32>
    %add3A_158 = arith.addf %dot_general3A_156, %add3A_157 : vector<128x8xf32>
    %reduce_sum3A_159 = arith.constant dense<0.000000e+00> : vector<8xf32>
    %reduce_sum3A_160 = vector.multi_reduction <add>, %slice3A_154, %reduce_sum3A_159 [0] : vector<128x8xf32> to vector<8xf32>
    %broadcast_in_dim3A_161 = vector.shape_cast %reduce_sum3A_160 : vector<8xf32> to vector<1x8xf32>
    %add3A_162 = arith.addf %add3A_153, %broadcast_in_dim3A_161 : vector<1x8xf32>
    %slice3A_163 = vector.extract_strided_slice %add3A_41 {offsets = [1664, 0], sizes = [128, 8], strides = [1, 1]} : vector<2048x8xf32> to vector<128x8xf32>
    %dot_general3A_164 = arith.constant dense<0.000000e+00> : vector<128x8xf32>
    %dot_general3A_165 = tpu.matmul %convert_element_type3A_45, %slice3A_163, %dot_general3A_164 {dimension_numbers = #tpu.dot_dimension_numbers<[1], [0], [0], [1], [0, 0, 1, 1], [], []>, transpose_lhs_hint = false} : vector<128x128xf32>, vector<128x8xf32>, vector<128x8xf32> -> vector<128x8xf32>
    %add3A_166 = vector.broadcast %add3A_162 : vector<1x8xf32> to vector<128x8xf32>
    %add3A_167 = arith.addf %dot_general3A_165, %add3A_166 : vector<128x8xf32>
    %reduce_sum3A_168 = arith.constant dense<0.000000e+00> : vector<8xf32>
    %reduce_sum3A_169 = vector.multi_reduction <add>, %slice3A_163, %reduce_sum3A_168 [0] : vector<128x8xf32> to vector<8xf32>
    %broadcast_in_dim3A_170 = vector.shape_cast %reduce_sum3A_169 : vector<8xf32> to vector<1x8xf32>
    %add3A_171 = arith.addf %add3A_162, %broadcast_in_dim3A_170 : vector<1x8xf32>
    %slice3A_172 = vector.extract_strided_slice %add3A_41 {offsets = [1792, 0], sizes = [128, 8], strides = [1, 1]} : vector<2048x8xf32> to vector<128x8xf32>
    %dot_general3A_173 = arith.constant dense<0.000000e+00> : vector<128x8xf32>
    %dot_general3A_174 = tpu.matmul %convert_element_type3A_45, %slice3A_172, %dot_general3A_173 {dimension_numbers = #tpu.dot_dimension_numbers<[1], [0], [0], [1], [0, 0, 1, 1], [], []>, transpose_lhs_hint = false} : vector<128x128xf32>, vector<128x8xf32>, vector<128x8xf32> -> vector<128x8xf32>
    %add3A_175 = vector.broadcast %add3A_171 : vector<1x8xf32> to vector<128x8xf32>
    %add3A_176 = arith.addf %dot_general3A_174, %add3A_175 : vector<128x8xf32>
    %reduce_sum3A_177 = arith.constant dense<0.000000e+00> : vector<8xf32>
    %reduce_sum3A_178 = vector.multi_reduction <add>, %slice3A_172, %reduce_sum3A_177 [0] : vector<128x8xf32> to vector<8xf32>
    %broadcast_in_dim3A_179 = vector.shape_cast %reduce_sum3A_178 : vector<8xf32> to vector<1x8xf32>
    %add3A_180 = arith.addf %add3A_171, %broadcast_in_dim3A_179 : vector<1x8xf32>
    %slice3A_181 = vector.extract_strided_slice %add3A_41 {offsets = [1920, 0], sizes = [128, 8], strides = [1, 1]} : vector<2048x8xf32> to vector<128x8xf32>
    %dot_general3A_182 = arith.constant dense<0.000000e+00> : vector<128x8xf32>
    %dot_general3A_183 = tpu.matmul %convert_element_type3A_45, %slice3A_181, %dot_general3A_182 {dimension_numbers = #tpu.dot_dimension_numbers<[1], [0], [0], [1], [0, 0, 1, 1], [], []>, transpose_lhs_hint = false} : vector<128x128xf32>, vector<128x8xf32>, vector<128x8xf32> -> vector<128x8xf32>
    %add3A_184 = vector.broadcast %add3A_180 : vector<1x8xf32> to vector<128x8xf32>
    %add3A_185 = arith.addf %dot_general3A_183, %add3A_184 : vector<128x8xf32>
    %reduce_sum3A_186 = arith.constant dense<0.000000e+00> : vector<8xf32>
    %reduce_sum3A_187 = vector.multi_reduction <add>, %slice3A_181, %reduce_sum3A_186 [0] : vector<128x8xf32> to vector<8xf32>
    %broadcast_in_dim3A_188 = vector.shape_cast %reduce_sum3A_187 : vector<8xf32> to vector<1x8xf32>
    %add3A_189 = arith.addf %add3A_180, %broadcast_in_dim3A_188 : vector<1x8xf32>
    %concatenate3A_190 = tpu.concatenate %add3A_51, %add3A_59, %add3A_68, %add3A_77, %add3A_86, %add3A_95, %add3A_104, %add3A_113, %add3A_122, %add3A_131, %add3A_140, %add3A_149, %add3A_158, %add3A_167, %add3A_176, %add3A_185 in 0 : vector<128x8xf32>, vector<128x8xf32>, vector<128x8xf32>, vector<128x8xf32>, vector<128x8xf32>, vector<128x8xf32>, vector<128x8xf32>, vector<128x8xf32>, vector<128x8xf32>, vector<128x8xf32>, vector<128x8xf32>, vector<128x8xf32>, vector<128x8xf32>, vector<128x8xf32>, vector<128x8xf32>, vector<128x8xf32> -> vector<2048x8xf32>
    %mul3A = arith.mulf %convert_element_type3A_36, %concatenate3A_190 : vector<2048x8xf32>
    %reduce_sum3A_191 = arith.constant dense<0.000000e+00> : vector<2048xf32>
    %reduce_sum3A_192 = vector.multi_reduction <add>, %mul3A, %reduce_sum3A_191 [1] : vector<2048x8xf32> to vector<2048xf32>
    %broadcast_in_dim3A_193 = vector.shape_cast %reduce_sum3A_192 : vector<2048xf32> to vector<2048x1xf32>
    %mul3A_194 = arith.mulf %convert_element_type3A_40, %concatenate3A_190 : vector<2048x8xf32>
    %reduce_sum3A_195 = arith.constant dense<0.000000e+00> : vector<2048xf32>
    %reduce_sum3A_196 = vector.multi_reduction <add>, %mul3A_194, %reduce_sum3A_195 [1] : vector<2048x8xf32> to vector<2048xf32>
    %broadcast_in_dim3A_197 = vector.shape_cast %reduce_sum3A_196 : vector<2048xf32> to vector<2048x1xf32>
    %broadcast_in_dim3A_198 = arith.constant 0.000000e+00 : f32
    %broadcast_in_dim3A_199 = vector.broadcast %broadcast_in_dim3A_198 : f32 to vector<2048x1xf32>
    %broadcast_in_dim3A_200 = arith.constant 0.000000e+00 : f32
    %broadcast_in_dim3A_201 = vector.broadcast %broadcast_in_dim3A_200 : f32 to vector<2048x1xf32>
    %slice3A_202 = vector.extract_strided_slice %add3A_189 {offsets = [0, 0], sizes = [1, 1], strides = [1, 1]} : vector<1x8xf32> to vector<1x1xf32>
    %squeeze3A = vector.extract %slice3A_202[0, 0] : f32 from vector<1x1xf32>
    %convert_element_type3A_203 = arith.fptosi %squeeze3A : f32 to i32
    %mul3A_204 = arith.constant 0 : i32
    %mul3A_205 = arith.constant 128 : i32
    %mul3A_206 = arith.muli %mul3A_204, %mul3A_205 : i32
    %convert_element_type3A_207 = arith.sitofp %mul3A_206 : i32 to f32
    %slice3A_208 = vector.extract_strided_slice %convert_element_type3A_36 {offsets = [0, 0], sizes = [2048, 1], strides = [1, 1]} : vector<2048x8xf32> to vector<2048x1xf32>
    %mul3A_209 = vector.broadcast %convert_element_type3A_207 : f32 to vector<2048x1xf32>
    %mul3A_210 = arith.mulf %slice3A_208, %mul3A_209 : vector<2048x1xf32>
    %add3A_211 = arith.addf %broadcast_in_dim3A_199, %mul3A_210 : vector<2048x1xf32>
    %slice3A_212 = vector.extract_strided_slice %convert_element_type3A_40 {offsets = [0, 0], sizes = [2048, 1], strides = [1, 1]} : vector<2048x8xf32> to vector<2048x1xf32>
    %mul3A_213 = vector.broadcast %convert_element_type3A_207 : f32 to vector<2048x1xf32>
    %mul3A_214 = arith.mulf %slice3A_212, %mul3A_213 : vector<2048x1xf32>
    %add3A_215 = arith.addf %broadcast_in_dim3A_201, %mul3A_214 : vector<2048x1xf32>
    %add3A_216 = arith.constant 128 : i32
    %add3A_217 = arith.addi %convert_element_type3A_203, %add3A_216 : i32
    %sub3A_218 = arith.constant 1 : i32
    %sub3A_219 = arith.subi %add3A_217, %sub3A_218 : i32
    %jit3A_220 = arith.constant 128 : i32
    %div3A_221 = arith.divsi %sub3A_219, %jit3A_220 : i32
    %sign3A = arith.constant 0 : i32
    %sign3A_222 = arith.cmpi sgt, %sub3A_219, %sign3A : i32
    %sign3A_223 = arith.extui %sign3A_222 : i1 to i32
    %sign3A_224 = arith.constant 0 : i32
    %sign3A_225 = arith.cmpi slt, %sub3A_219, %sign3A_224 : i32
    %sign3A_226 = arith.extui %sign3A_225 : i1 to i32
    %sign3A_227 = arith.subi %sign3A_223, %sign3A_226 : i32
    %sign3A_228 = arith.constant 0 : i32
    %sign3A_229 = arith.cmpi sgt, %jit3A_220, %sign3A_228 : i32
    %sign3A_230 = arith.extui %sign3A_229 : i1 to i32
    %sign3A_231 = arith.constant 0 : i32
    %sign3A_232 = arith.cmpi slt, %jit3A_220, %sign3A_231 : i32
    %sign3A_233 = arith.extui %sign3A_232 : i1 to i32
    %sign3A_234 = arith.subi %sign3A_230, %sign3A_233 : i32
    %ne3A = arith.cmpi ne, %sign3A_227, %sign3A_234 : i32
    %rem3A = arith.remsi %sub3A_219, %jit3A_220 : i32
    %ne3A_235 = arith.constant 0 : i32
    %ne3A_236 = arith.cmpi ne, %rem3A, %ne3A_235 : i32
    %and3A = arith.andi %ne3A, %ne3A_236 : i1
    %sub3A_237 = arith.constant 1 : i32
    %sub3A_238 = arith.subi %div3A_221, %sub3A_237 : i32
    %select_n3A_239 = arith.select %and3A, %sub3A_238, %div3A_221 : i32
    %add3A_240 = arith.constant 0 : i32
    %add3A_241 = arith.addi %add3A_240, %select_n3A_239 : i32
    %slice3A_242 = vector.extract_strided_slice %add3A_189 {offsets = [0, 1], sizes = [1, 1], strides = [1, 1]} : vector<1x8xf32> to vector<1x1xf32>
    %squeeze3A_243 = vector.extract %slice3A_242[0, 0] : f32 from vector<1x1xf32>
    %convert_element_type3A_244 = arith.fptosi %squeeze3A_243 : f32 to i32
    %mul3A_245 = arith.constant 128 : i32
    %mul3A_246 = arith.muli %add3A_241, %mul3A_245 : i32
    %convert_element_type3A_247 = arith.sitofp %mul3A_246 : i32 to f32
    %slice3A_248 = vector.extract_strided_slice %convert_element_type3A_36 {offsets = [0, 1], sizes = [2048, 1], strides = [1, 1]} : vector<2048x8xf32> to vector<2048x1xf32>
    %mul3A_249 = vector.broadcast %convert_element_type3A_247 : f32 to vector<2048x1xf32>
    %mul3A_250 = arith.mulf %slice3A_248, %mul3A_249 : vector<2048x1xf32>
    %add3A_251 = arith.addf %add3A_211, %mul3A_250 : vector<2048x1xf32>
    %slice3A_252 = vector.extract_strided_slice %convert_element_type3A_40 {offsets = [0, 1], sizes = [2048, 1], strides = [1, 1]} : vector<2048x8xf32> to vector<2048x1xf32>
    %mul3A_253 = vector.broadcast %convert_element_type3A_247 : f32 to vector<2048x1xf32>
    %mul3A_254 = arith.mulf %slice3A_252, %mul3A_253 : vector<2048x1xf32>
    %add3A_255 = arith.addf %add3A_215, %mul3A_254 : vector<2048x1xf32>
    %add3A_256 = arith.constant 128 : i32
    %add3A_257 = arith.addi %convert_element_type3A_244, %add3A_256 : i32
    %sub3A_258 = arith.constant 1 : i32
    %sub3A_259 = arith.subi %add3A_257, %sub3A_258 : i32
    %jit3A_260 = arith.constant 128 : i32
    %div3A_261 = arith.divsi %sub3A_259, %jit3A_260 : i32
    %sign3A_262 = arith.constant 0 : i32
    %sign3A_263 = arith.cmpi sgt, %sub3A_259, %sign3A_262 : i32
    %sign3A_264 = arith.extui %sign3A_263 : i1 to i32
    %sign3A_265 = arith.constant 0 : i32
    %sign3A_266 = arith.cmpi slt, %sub3A_259, %sign3A_265 : i32
    %sign3A_267 = arith.extui %sign3A_266 : i1 to i32
    %sign3A_268 = arith.subi %sign3A_264, %sign3A_267 : i32
    %sign3A_269 = arith.constant 0 : i32
    %sign3A_270 = arith.cmpi sgt, %jit3A_260, %sign3A_269 : i32
    %sign3A_271 = arith.extui %sign3A_270 : i1 to i32
    %sign3A_272 = arith.constant 0 : i32
    %sign3A_273 = arith.cmpi slt, %jit3A_260, %sign3A_272 : i32
    %sign3A_274 = arith.extui %sign3A_273 : i1 to i32
    %sign3A_275 = arith.subi %sign3A_271, %sign3A_274 : i32
    %ne3A_276 = arith.cmpi ne, %sign3A_268, %sign3A_275 : i32
    %rem3A_277 = arith.remsi %sub3A_259, %jit3A_260 : i32
    %ne3A_278 = arith.constant 0 : i32
    %ne3A_279 = arith.cmpi ne, %rem3A_277, %ne3A_278 : i32
    %and3A_280 = arith.andi %ne3A_276, %ne3A_279 : i1
    %sub3A_281 = arith.constant 1 : i32
    %sub3A_282 = arith.subi %div3A_261, %sub3A_281 : i32
    %select_n3A_283 = arith.select %and3A_280, %sub3A_282, %div3A_261 : i32
    %add3A_284 = arith.addi %add3A_241, %select_n3A_283 : i32
    %slice3A_285 = vector.extract_strided_slice %add3A_189 {offsets = [0, 2], sizes = [1, 1], strides = [1, 1]} : vector<1x8xf32> to vector<1x1xf32>
    %squeeze3A_286 = vector.extract %slice3A_285[0, 0] : f32 from vector<1x1xf32>
    %convert_element_type3A_287 = arith.fptosi %squeeze3A_286 : f32 to i32
    %mul3A_288 = arith.constant 128 : i32
    %mul3A_289 = arith.muli %add3A_284, %mul3A_288 : i32
    %convert_element_type3A_290 = arith.sitofp %mul3A_289 : i32 to f32
    %slice3A_291 = vector.extract_strided_slice %convert_element_type3A_36 {offsets = [0, 2], sizes = [2048, 1], strides = [1, 1]} : vector<2048x8xf32> to vector<2048x1xf32>
    %mul3A_292 = vector.broadcast %convert_element_type3A_290 : f32 to vector<2048x1xf32>
    %mul3A_293 = arith.mulf %slice3A_291, %mul3A_292 : vector<2048x1xf32>
    %add3A_294 = arith.addf %add3A_251, %mul3A_293 : vector<2048x1xf32>
    %slice3A_295 = vector.extract_strided_slice %convert_element_type3A_40 {offsets = [0, 2], sizes = [2048, 1], strides = [1, 1]} : vector<2048x8xf32> to vector<2048x1xf32>
    %mul3A_296 = vector.broadcast %convert_element_type3A_290 : f32 to vector<2048x1xf32>
    %mul3A_297 = arith.mulf %slice3A_295, %mul3A_296 : vector<2048x1xf32>
    %add3A_298 = arith.addf %add3A_255, %mul3A_297 : vector<2048x1xf32>
    %add3A_299 = arith.constant 128 : i32
    %add3A_300 = arith.addi %convert_element_type3A_287, %add3A_299 : i32
    %sub3A_301 = arith.constant 1 : i32
    %sub3A_302 = arith.subi %add3A_300, %sub3A_301 : i32
    %jit3A_303 = arith.constant 128 : i32
    %div3A_304 = arith.divsi %sub3A_302, %jit3A_303 : i32
    %sign3A_305 = arith.constant 0 : i32
    %sign3A_306 = arith.cmpi sgt, %sub3A_302, %sign3A_305 : i32
    %sign3A_307 = arith.extui %sign3A_306 : i1 to i32
    %sign3A_308 = arith.constant 0 : i32
    %sign3A_309 = arith.cmpi slt, %sub3A_302, %sign3A_308 : i32
    %sign3A_310 = arith.extui %sign3A_309 : i1 to i32
    %sign3A_311 = arith.subi %sign3A_307, %sign3A_310 : i32
    %sign3A_312 = arith.constant 0 : i32
    %sign3A_313 = arith.cmpi sgt, %jit3A_303, %sign3A_312 : i32
    %sign3A_314 = arith.extui %sign3A_313 : i1 to i32
    %sign3A_315 = arith.constant 0 : i32
    %sign3A_316 = arith.cmpi slt, %jit3A_303, %sign3A_315 : i32
    %sign3A_317 = arith.extui %sign3A_316 : i1 to i32
    %sign3A_318 = arith.subi %sign3A_314, %sign3A_317 : i32
    %ne3A_319 = arith.cmpi ne, %sign3A_311, %sign3A_318 : i32
    %rem3A_320 = arith.remsi %sub3A_302, %jit3A_303 : i32
    %ne3A_321 = arith.constant 0 : i32
    %ne3A_322 = arith.cmpi ne, %rem3A_320, %ne3A_321 : i32
    %and3A_323 = arith.andi %ne3A_319, %ne3A_322 : i1
    %sub3A_324 = arith.constant 1 : i32
    %sub3A_325 = arith.subi %div3A_304, %sub3A_324 : i32
    %select_n3A_326 = arith.select %and3A_323, %sub3A_325, %div3A_304 : i32
    %add3A_327 = arith.addi %add3A_284, %select_n3A_326 : i32
    %slice3A_328 = vector.extract_strided_slice %add3A_189 {offsets = [0, 3], sizes = [1, 1], strides = [1, 1]} : vector<1x8xf32> to vector<1x1xf32>
    %squeeze3A_329 = vector.extract %slice3A_328[0, 0] : f32 from vector<1x1xf32>
    %convert_element_type3A_330 = arith.fptosi %squeeze3A_329 : f32 to i32
    %mul3A_331 = arith.constant 128 : i32
    %mul3A_332 = arith.muli %add3A_327, %mul3A_331 : i32
    %convert_element_type3A_333 = arith.sitofp %mul3A_332 : i32 to f32
    %slice3A_334 = vector.extract_strided_slice %convert_element_type3A_36 {offsets = [0, 3], sizes = [2048, 1], strides = [1, 1]} : vector<2048x8xf32> to vector<2048x1xf32>
    %mul3A_335 = vector.broadcast %convert_element_type3A_333 : f32 to vector<2048x1xf32>
    %mul3A_336 = arith.mulf %slice3A_334, %mul3A_335 : vector<2048x1xf32>
    %add3A_337 = arith.addf %add3A_294, %mul3A_336 : vector<2048x1xf32>
    %slice3A_338 = vector.extract_strided_slice %convert_element_type3A_40 {offsets = [0, 3], sizes = [2048, 1], strides = [1, 1]} : vector<2048x8xf32> to vector<2048x1xf32>
    %mul3A_339 = vector.broadcast %convert_element_type3A_333 : f32 to vector<2048x1xf32>
    %mul3A_340 = arith.mulf %slice3A_338, %mul3A_339 : vector<2048x1xf32>
    %add3A_341 = arith.addf %add3A_298, %mul3A_340 : vector<2048x1xf32>
    %add3A_342 = arith.constant 128 : i32
    %add3A_343 = arith.addi %convert_element_type3A_330, %add3A_342 : i32
    %sub3A_344 = arith.constant 1 : i32
    %sub3A_345 = arith.subi %add3A_343, %sub3A_344 : i32
    %jit3A_346 = arith.constant 128 : i32
    %div3A_347 = arith.divsi %sub3A_345, %jit3A_346 : i32
    %sign3A_348 = arith.constant 0 : i32
    %sign3A_349 = arith.cmpi sgt, %sub3A_345, %sign3A_348 : i32
    %sign3A_350 = arith.extui %sign3A_349 : i1 to i32
    %sign3A_351 = arith.constant 0 : i32
    %sign3A_352 = arith.cmpi slt, %sub3A_345, %sign3A_351 : i32
    %sign3A_353 = arith.extui %sign3A_352 : i1 to i32
    %sign3A_354 = arith.subi %sign3A_350, %sign3A_353 : i32
    %sign3A_355 = arith.constant 0 : i32
    %sign3A_356 = arith.cmpi sgt, %jit3A_346, %sign3A_355 : i32
    %sign3A_357 = arith.extui %sign3A_356 : i1 to i32
    %sign3A_358 = arith.constant 0 : i32
    %sign3A_359 = arith.cmpi slt, %jit3A_346, %sign3A_358 : i32
    %sign3A_360 = arith.extui %sign3A_359 : i1 to i32
    %sign3A_361 = arith.subi %sign3A_357, %sign3A_360 : i32
    %ne3A_362 = arith.cmpi ne, %sign3A_354, %sign3A_361 : i32
    %rem3A_363 = arith.remsi %sub3A_345, %jit3A_346 : i32
    %ne3A_364 = arith.constant 0 : i32
    %ne3A_365 = arith.cmpi ne, %rem3A_363, %ne3A_364 : i32
    %and3A_366 = arith.andi %ne3A_362, %ne3A_365 : i1
    %sub3A_367 = arith.constant 1 : i32
    %sub3A_368 = arith.subi %div3A_347, %sub3A_367 : i32
    %select_n3A_369 = arith.select %and3A_366, %sub3A_368, %div3A_347 : i32
    %add3A_370 = arith.addi %add3A_327, %select_n3A_369 : i32
    %slice3A_371 = vector.extract_strided_slice %add3A_189 {offsets = [0, 4], sizes = [1, 1], strides = [1, 1]} : vector<1x8xf32> to vector<1x1xf32>
    %squeeze3A_372 = vector.extract %slice3A_371[0, 0] : f32 from vector<1x1xf32>
    %convert_element_type3A_373 = arith.fptosi %squeeze3A_372 : f32 to i32
    %mul3A_374 = arith.constant 128 : i32
    %mul3A_375 = arith.muli %add3A_370, %mul3A_374 : i32
    %convert_element_type3A_376 = arith.sitofp %mul3A_375 : i32 to f32
    %slice3A_377 = vector.extract_strided_slice %convert_element_type3A_36 {offsets = [0, 4], sizes = [2048, 1], strides = [1, 1]} : vector<2048x8xf32> to vector<2048x1xf32>
    %mul3A_378 = vector.broadcast %convert_element_type3A_376 : f32 to vector<2048x1xf32>
    %mul3A_379 = arith.mulf %slice3A_377, %mul3A_378 : vector<2048x1xf32>
    %add3A_380 = arith.addf %add3A_337, %mul3A_379 : vector<2048x1xf32>
    %slice3A_381 = vector.extract_strided_slice %convert_element_type3A_40 {offsets = [0, 4], sizes = [2048, 1], strides = [1, 1]} : vector<2048x8xf32> to vector<2048x1xf32>
    %mul3A_382 = vector.broadcast %convert_element_type3A_376 : f32 to vector<2048x1xf32>
    %mul3A_383 = arith.mulf %slice3A_381, %mul3A_382 : vector<2048x1xf32>
    %add3A_384 = arith.addf %add3A_341, %mul3A_383 : vector<2048x1xf32>
    %add3A_385 = arith.constant 128 : i32
    %add3A_386 = arith.addi %convert_element_type3A_373, %add3A_385 : i32
    %sub3A_387 = arith.constant 1 : i32
    %sub3A_388 = arith.subi %add3A_386, %sub3A_387 : i32
    %jit3A_389 = arith.constant 128 : i32
    %div3A_390 = arith.divsi %sub3A_388, %jit3A_389 : i32
    %sign3A_391 = arith.constant 0 : i32
    %sign3A_392 = arith.cmpi sgt, %sub3A_388, %sign3A_391 : i32
    %sign3A_393 = arith.extui %sign3A_392 : i1 to i32
    %sign3A_394 = arith.constant 0 : i32
    %sign3A_395 = arith.cmpi slt, %sub3A_388, %sign3A_394 : i32
    %sign3A_396 = arith.extui %sign3A_395 : i1 to i32
    %sign3A_397 = arith.subi %sign3A_393, %sign3A_396 : i32
    %sign3A_398 = arith.constant 0 : i32
    %sign3A_399 = arith.cmpi sgt, %jit3A_389, %sign3A_398 : i32
    %sign3A_400 = arith.extui %sign3A_399 : i1 to i32
    %sign3A_401 = arith.constant 0 : i32
    %sign3A_402 = arith.cmpi slt, %jit3A_389, %sign3A_401 : i32
    %sign3A_403 = arith.extui %sign3A_402 : i1 to i32
    %sign3A_404 = arith.subi %sign3A_400, %sign3A_403 : i32
    %ne3A_405 = arith.cmpi ne, %sign3A_397, %sign3A_404 : i32
    %rem3A_406 = arith.remsi %sub3A_388, %jit3A_389 : i32
    %ne3A_407 = arith.constant 0 : i32
    %ne3A_408 = arith.cmpi ne, %rem3A_406, %ne3A_407 : i32
    %and3A_409 = arith.andi %ne3A_405, %ne3A_408 : i1
    %sub3A_410 = arith.constant 1 : i32
    %sub3A_411 = arith.subi %div3A_390, %sub3A_410 : i32
    %select_n3A_412 = arith.select %and3A_409, %sub3A_411, %div3A_390 : i32
    %add3A_413 = arith.addi %add3A_370, %select_n3A_412 : i32
    %slice3A_414 = vector.extract_strided_slice %add3A_189 {offsets = [0, 5], sizes = [1, 1], strides = [1, 1]} : vector<1x8xf32> to vector<1x1xf32>
    %squeeze3A_415 = vector.extract %slice3A_414[0, 0] : f32 from vector<1x1xf32>
    %convert_element_type3A_416 = arith.fptosi %squeeze3A_415 : f32 to i32
    %mul3A_417 = arith.constant 128 : i32
    %mul3A_418 = arith.muli %add3A_413, %mul3A_417 : i32
    %convert_element_type3A_419 = arith.sitofp %mul3A_418 : i32 to f32
    %slice3A_420 = vector.extract_strided_slice %convert_element_type3A_36 {offsets = [0, 5], sizes = [2048, 1], strides = [1, 1]} : vector<2048x8xf32> to vector<2048x1xf32>
    %mul3A_421 = vector.broadcast %convert_element_type3A_419 : f32 to vector<2048x1xf32>
    %mul3A_422 = arith.mulf %slice3A_420, %mul3A_421 : vector<2048x1xf32>
    %add3A_423 = arith.addf %add3A_380, %mul3A_422 : vector<2048x1xf32>
    %slice3A_424 = vector.extract_strided_slice %convert_element_type3A_40 {offsets = [0, 5], sizes = [2048, 1], strides = [1, 1]} : vector<2048x8xf32> to vector<2048x1xf32>
    %mul3A_425 = vector.broadcast %convert_element_type3A_419 : f32 to vector<2048x1xf32>
    %mul3A_426 = arith.mulf %slice3A_424, %mul3A_425 : vector<2048x1xf32>
    %add3A_427 = arith.addf %add3A_384, %mul3A_426 : vector<2048x1xf32>
    %add3A_428 = arith.constant 128 : i32
    %add3A_429 = arith.addi %convert_element_type3A_416, %add3A_428 : i32
    %sub3A_430 = arith.constant 1 : i32
    %sub3A_431 = arith.subi %add3A_429, %sub3A_430 : i32
    %jit3A_432 = arith.constant 128 : i32
    %div3A_433 = arith.divsi %sub3A_431, %jit3A_432 : i32
    %sign3A_434 = arith.constant 0 : i32
    %sign3A_435 = arith.cmpi sgt, %sub3A_431, %sign3A_434 : i32
    %sign3A_436 = arith.extui %sign3A_435 : i1 to i32
    %sign3A_437 = arith.constant 0 : i32
    %sign3A_438 = arith.cmpi slt, %sub3A_431, %sign3A_437 : i32
    %sign3A_439 = arith.extui %sign3A_438 : i1 to i32
    %sign3A_440 = arith.subi %sign3A_436, %sign3A_439 : i32
    %sign3A_441 = arith.constant 0 : i32
    %sign3A_442 = arith.cmpi sgt, %jit3A_432, %sign3A_441 : i32
    %sign3A_443 = arith.extui %sign3A_442 : i1 to i32
    %sign3A_444 = arith.constant 0 : i32
    %sign3A_445 = arith.cmpi slt, %jit3A_432, %sign3A_444 : i32
    %sign3A_446 = arith.extui %sign3A_445 : i1 to i32
    %sign3A_447 = arith.subi %sign3A_443, %sign3A_446 : i32
    %ne3A_448 = arith.cmpi ne, %sign3A_440, %sign3A_447 : i32
    %rem3A_449 = arith.remsi %sub3A_431, %jit3A_432 : i32
    %ne3A_450 = arith.constant 0 : i32
    %ne3A_451 = arith.cmpi ne, %rem3A_449, %ne3A_450 : i32
    %and3A_452 = arith.andi %ne3A_448, %ne3A_451 : i1
    %sub3A_453 = arith.constant 1 : i32
    %sub3A_454 = arith.subi %div3A_433, %sub3A_453 : i32
    %select_n3A_455 = arith.select %and3A_452, %sub3A_454, %div3A_433 : i32
    %add3A_456 = arith.addi %add3A_413, %select_n3A_455 : i32
    %slice3A_457 = vector.extract_strided_slice %add3A_189 {offsets = [0, 6], sizes = [1, 1], strides = [1, 1]} : vector<1x8xf32> to vector<1x1xf32>
    %squeeze3A_458 = vector.extract %slice3A_457[0, 0] : f32 from vector<1x1xf32>
    %convert_element_type3A_459 = arith.fptosi %squeeze3A_458 : f32 to i32
    %mul3A_460 = arith.constant 128 : i32
    %mul3A_461 = arith.muli %add3A_456, %mul3A_460 : i32
    %convert_element_type3A_462 = arith.sitofp %mul3A_461 : i32 to f32
    %slice3A_463 = vector.extract_strided_slice %convert_element_type3A_36 {offsets = [0, 6], sizes = [2048, 1], strides = [1, 1]} : vector<2048x8xf32> to vector<2048x1xf32>
    %mul3A_464 = vector.broadcast %convert_element_type3A_462 : f32 to vector<2048x1xf32>
    %mul3A_465 = arith.mulf %slice3A_463, %mul3A_464 : vector<2048x1xf32>
    %add3A_466 = arith.addf %add3A_423, %mul3A_465 : vector<2048x1xf32>
    %slice3A_467 = vector.extract_strided_slice %convert_element_type3A_40 {offsets = [0, 6], sizes = [2048, 1], strides = [1, 1]} : vector<2048x8xf32> to vector<2048x1xf32>
    %mul3A_468 = vector.broadcast %convert_element_type3A_462 : f32 to vector<2048x1xf32>
    %mul3A_469 = arith.mulf %slice3A_467, %mul3A_468 : vector<2048x1xf32>
    %add3A_470 = arith.addf %add3A_427, %mul3A_469 : vector<2048x1xf32>
    %add3A_471 = arith.constant 128 : i32
    %add3A_472 = arith.addi %convert_element_type3A_459, %add3A_471 : i32
    %sub3A_473 = arith.constant 1 : i32
    %sub3A_474 = arith.subi %add3A_472, %sub3A_473 : i32
    %jit3A_475 = arith.constant 128 : i32
    %div3A_476 = arith.divsi %sub3A_474, %jit3A_475 : i32
    %sign3A_477 = arith.constant 0 : i32
    %sign3A_478 = arith.cmpi sgt, %sub3A_474, %sign3A_477 : i32
    %sign3A_479 = arith.extui %sign3A_478 : i1 to i32
    %sign3A_480 = arith.constant 0 : i32
    %sign3A_481 = arith.cmpi slt, %sub3A_474, %sign3A_480 : i32
    %sign3A_482 = arith.extui %sign3A_481 : i1 to i32
    %sign3A_483 = arith.subi %sign3A_479, %sign3A_482 : i32
    %sign3A_484 = arith.constant 0 : i32
    %sign3A_485 = arith.cmpi sgt, %jit3A_475, %sign3A_484 : i32
    %sign3A_486 = arith.extui %sign3A_485 : i1 to i32
    %sign3A_487 = arith.constant 0 : i32
    %sign3A_488 = arith.cmpi slt, %jit3A_475, %sign3A_487 : i32
    %sign3A_489 = arith.extui %sign3A_488 : i1 to i32
    %sign3A_490 = arith.subi %sign3A_486, %sign3A_489 : i32
    %ne3A_491 = arith.cmpi ne, %sign3A_483, %sign3A_490 : i32
    %rem3A_492 = arith.remsi %sub3A_474, %jit3A_475 : i32
    %ne3A_493 = arith.constant 0 : i32
    %ne3A_494 = arith.cmpi ne, %rem3A_492, %ne3A_493 : i32
    %and3A_495 = arith.andi %ne3A_491, %ne3A_494 : i1
    %sub3A_496 = arith.constant 1 : i32
    %sub3A_497 = arith.subi %div3A_476, %sub3A_496 : i32
    %select_n3A_498 = arith.select %and3A_495, %sub3A_497, %div3A_476 : i32
    %add3A_499 = arith.addi %add3A_456, %select_n3A_498 : i32
    %slice3A_500 = vector.extract_strided_slice %add3A_189 {offsets = [0, 7], sizes = [1, 1], strides = [1, 1]} : vector<1x8xf32> to vector<1x1xf32>
    %squeeze3A_501 = vector.extract %slice3A_500[0, 0] : f32 from vector<1x1xf32>
    %convert_element_type3A_502 = arith.fptosi %squeeze3A_501 : f32 to i32
    %mul3A_503 = arith.constant 128 : i32
    %mul3A_504 = arith.muli %add3A_499, %mul3A_503 : i32
    %convert_element_type3A_505 = arith.sitofp %mul3A_504 : i32 to f32
    %slice3A_506 = vector.extract_strided_slice %convert_element_type3A_36 {offsets = [0, 7], sizes = [2048, 1], strides = [1, 1]} : vector<2048x8xf32> to vector<2048x1xf32>
    %mul3A_507 = vector.broadcast %convert_element_type3A_505 : f32 to vector<2048x1xf32>
    %mul3A_508 = arith.mulf %slice3A_506, %mul3A_507 : vector<2048x1xf32>
    %add3A_509 = arith.addf %add3A_466, %mul3A_508 : vector<2048x1xf32>
    %slice3A_510 = vector.extract_strided_slice %convert_element_type3A_40 {offsets = [0, 7], sizes = [2048, 1], strides = [1, 1]} : vector<2048x8xf32> to vector<2048x1xf32>
    %mul3A_511 = vector.broadcast %convert_element_type3A_505 : f32 to vector<2048x1xf32>
    %mul3A_512 = arith.mulf %slice3A_510, %mul3A_511 : vector<2048x1xf32>
    %add3A_513 = arith.addf %add3A_470, %mul3A_512 : vector<2048x1xf32>
    %add3A_514 = arith.constant 128 : i32
    %add3A_515 = arith.addi %convert_element_type3A_502, %add3A_514 : i32
    %sub3A_516 = arith.constant 1 : i32
    %sub3A_517 = arith.subi %add3A_515, %sub3A_516 : i32
    %jit3A_518 = arith.constant 128 : i32
    %div3A_519 = arith.divsi %sub3A_517, %jit3A_518 : i32
    %sign3A_520 = arith.constant 0 : i32
    %sign3A_521 = arith.cmpi sgt, %sub3A_517, %sign3A_520 : i32
    %sign3A_522 = arith.extui %sign3A_521 : i1 to i32
    %sign3A_523 = arith.constant 0 : i32
    %sign3A_524 = arith.cmpi slt, %sub3A_517, %sign3A_523 : i32
    %sign3A_525 = arith.extui %sign3A_524 : i1 to i32
    %sign3A_526 = arith.subi %sign3A_522, %sign3A_525 : i32
    %sign3A_527 = arith.constant 0 : i32
    %sign3A_528 = arith.cmpi sgt, %jit3A_518, %sign3A_527 : i32
    %sign3A_529 = arith.extui %sign3A_528 : i1 to i32
    %sign3A_530 = arith.constant 0 : i32
    %sign3A_531 = arith.cmpi slt, %jit3A_518, %sign3A_530 : i32
    %sign3A_532 = arith.extui %sign3A_531 : i1 to i32
    %sign3A_533 = arith.subi %sign3A_529, %sign3A_532 : i32
    %ne3A_534 = arith.cmpi ne, %sign3A_526, %sign3A_533 : i32
    %rem3A_535 = arith.remsi %sub3A_517, %jit3A_518 : i32
    %ne3A_536 = arith.constant 0 : i32
    %ne3A_537 = arith.cmpi ne, %rem3A_535, %ne3A_536 : i32
    %and3A_538 = arith.andi %ne3A_534, %ne3A_537 : i1
    %sub3A_539 = arith.constant 1 : i32
    %sub3A_540 = arith.subi %div3A_519, %sub3A_539 : i32
    %select_n3A_541 = arith.select %and3A_538, %sub3A_540, %div3A_519 : i32
    %add3A_542 = arith.addi %add3A_499, %select_n3A_541 : i32
    %add3A_543 = arith.addf %add3A_509, %broadcast_in_dim3A_193 : vector<2048x1xf32>
    %convert_element_type3A_544 = arith.fptosi %add3A_543 : vector<2048x1xf32> to vector<2048x1xi32>
    %add3A_545 = arith.addf %add3A_513, %broadcast_in_dim3A_197 : vector<2048x1xf32>
    %convert_element_type3A_546 = arith.fptosi %add3A_545 : vector<2048x1xf32> to vector<2048x1xi32>
    %concatenate3A_547 = tpu.concatenate %convert_element_type3A_544, %convert_element_type3A_546 in 1 : vector<2048x1xi32>, vector<2048x1xi32> -> vector<2048x2xi32>
    %swap3A_548 = arith.constant 0 : index
    %swap3A_549 = arith.constant 0 : index
    %swap3A_550 = vector.load %arg3[%swap3A_548, %swap3A_549] : memref<2048x2xi32, #tpu.memory_space<vmem>>, vector<2048x2xi32>
    tpu.vector_store %arg3[%swap3A_548, %swap3A_549], %concatenate3A_547 {strides = array<i32>} : memref<2048x2xi32, #tpu.memory_space<vmem>>, vector<2048x2xi32>,
    %iota3A_551 = tpu.iota {dimensions = array<i32: 1>} : vector<1x128xi32>
    %broadcast_in_dim3A_552 = arith.constant 0 : i32
    %broadcast_in_dim3A_553 = vector.broadcast %broadcast_in_dim3A_552 : i32 to vector<1x128xi32>
    %ge3A = vector.broadcast %add3A_241 : i32 to vector<1x128xi32>
    %ge3A_554 = arith.cmpi sge, %iota3A_551, %ge3A : vector<1x128xi32>
    %convert_element_type3A_555 = arith.extui %ge3A_554 : vector<1x128xi1> to vector<1x128xi32>
    %add3A_556 = arith.addi %broadcast_in_dim3A_553, %convert_element_type3A_555 : vector<1x128xi32>
    %ge3A_557 = vector.broadcast %add3A_284 : i32 to vector<1x128xi32>
    %ge3A_558 = arith.cmpi sge, %iota3A_551, %ge3A_557 : vector<1x128xi32>
    %convert_element_type3A_559 = arith.extui %ge3A_558 : vector<1x128xi1> to vector<1x128xi32>
    %add3A_560 = arith.addi %add3A_556, %convert_element_type3A_559 : vector<1x128xi32>
    %ge3A_561 = vector.broadcast %add3A_327 : i32 to vector<1x128xi32>
    %ge3A_562 = arith.cmpi sge, %iota3A_551, %ge3A_561 : vector<1x128xi32>
    %convert_element_type3A_563 = arith.extui %ge3A_562 : vector<1x128xi1> to vector<1x128xi32>
    %add3A_564 = arith.addi %add3A_560, %convert_element_type3A_563 : vector<1x128xi32>
    %ge3A_565 = vector.broadcast %add3A_370 : i32 to vector<1x128xi32>
    %ge3A_566 = arith.cmpi sge, %iota3A_551, %ge3A_565 : vector<1x128xi32>
    %convert_element_type3A_567 = arith.extui %ge3A_566 : vector<1x128xi1> to vector<1x128xi32>
    %add3A_568 = arith.addi %add3A_564, %convert_element_type3A_567 : vector<1x128xi32>
    %ge3A_569 = vector.broadcast %add3A_413 : i32 to vector<1x128xi32>
    %ge3A_570 = arith.cmpi sge, %iota3A_551, %ge3A_569 : vector<1x128xi32>
    %convert_element_type3A_571 = arith.extui %ge3A_570 : vector<1x128xi1> to vector<1x128xi32>
    %add3A_572 = arith.addi %add3A_568, %convert_element_type3A_571 : vector<1x128xi32>
    %ge3A_573 = vector.broadcast %add3A_456 : i32 to vector<1x128xi32>
    %ge3A_574 = arith.cmpi sge, %iota3A_551, %ge3A_573 : vector<1x128xi32>
    %convert_element_type3A_575 = arith.extui %ge3A_574 : vector<1x128xi1> to vector<1x128xi32>
    %add3A_576 = arith.addi %add3A_572, %convert_element_type3A_575 : vector<1x128xi32>
    %ge3A_577 = vector.broadcast %add3A_499 : i32 to vector<1x128xi32>
    %ge3A_578 = arith.cmpi sge, %iota3A_551, %ge3A_577 : vector<1x128xi32>
    %convert_element_type3A_579 = arith.extui %ge3A_578 : vector<1x128xi1> to vector<1x128xi32>
    %add3A_580 = arith.addi %add3A_576, %convert_element_type3A_579 : vector<1x128xi32>
    %swap3A_581 = arith.constant 0 : index
    %swap3A_582 = arith.constant 0 : index
    %swap3A_583 = vector.load %arg4[%swap3A_581, %swap3A_582] : memref<1x128xi32, #tpu.memory_space<vmem>>, vector<1x128xi32>
    tpu.vector_store %arg4[%swap3A_581, %swap3A_582], %add3A_580 {strides = array<i32>} : memref<1x128xi32, #tpu.memory_space<vmem>>, vector<1x128xi32>,
    %lt3A_584 = vector.broadcast %add3A_542 : i32 to vector<1x128xi32>
    %lt3A_585 = arith.cmpi slt, %iota3A_551, %lt3A_584 : vector<1x128xi32>
    %convert_element_type3A_586 = arith.extui %lt3A_585 : vector<1x128xi1> to vector<1x128xi32>
    %swap3A_587 = arith.constant 0 : index
    %swap3A_588 = arith.constant 0 : index
    %swap3A_589 = vector.load %arg5[%swap3A_587, %swap3A_588] : memref<1x128xi32, #tpu.memory_space<vmem>>, vector<1x128xi32>
    tpu.vector_store %arg5[%swap3A_587, %swap3A_588], %convert_element_type3A_586 {strides = array<i32>} : memref<1x128xi32, #tpu.memory_space<vmem>>, vector<1x128xi32>,
    return
  }
}

module attributes {stable_mosaic.version = 14 : i64} {
  func.func @_moe_tile_body(%arg0: i32, %arg1: memref<1x128xi32, #tpu.memory_space<smem>>, %arg2: memref<1x128xi32, #tpu.memory_space<smem>>, %arg3: memref<128x1024xf32, #tpu.memory_space<vmem>>, %arg4: memref<1x768x1024xf32, #tpu.memory_space<vmem>>, %arg5: memref<1x768x1024xf32, #tpu.memory_space<vmem>>, %arg6: memref<1x1024x768xf32, #tpu.memory_space<vmem>>, %arg7: memref<128x1024xf32, #tpu.memory_space<vmem>>) attributes {dimension_semantics = [#tpu.dimension_semantics<arbitrary>], iteration_bounds = array<i64: 40>, scalar_prefetch = 2 : i64, scratch_operands = 0 : i64, tpu.core_type = #tpu.core_type<tc>, window_params = [{transform_indices = @transform_0, window_bounds = array<i64: 128, 1024>}, {transform_indices = @transform_1, window_bounds = array<i64: 1, 768, 1024>}, {transform_indices = @transform_2, window_bounds = array<i64: 1, 768, 1024>}, {transform_indices = @transform_3, window_bounds = array<i64: 1, 1024, 768>}, {transform_indices = @transform_4, window_bounds = array<i64: 128, 1024>}]} {
    %get3A = arith.constant 0 : index
    %get3A_0 = arith.index_cast %arg0 : i32 to index
    %get3A_1 = memref.load %arg2[%get3A, %get3A_0] : memref<1x128xi32, #tpu.memory_space<smem>>
    %eq3A = arith.constant 1 : i32
    %eq3A_2 = arith.cmpi eq, %get3A_1, %eq3A : i32
    %convert_element_type3A = arith.extui %eq3A_2 : i1 to i32
    %cond3A = arith.constant 0 : i32
    %cond3A_3 = arith.cmpi ne, %convert_element_type3A, %cond3A : i32
    scf.if %cond3A_3 {
      %get3A_4 = arith.constant 0 : index
      %get3A_5 = arith.constant 0 : index
      %get3A_6 = vector.load %arg3[%get3A_4, %get3A_5] : memref<128x1024xf32, #tpu.memory_space<vmem>>, vector<128x1024xf32>
      %get3A_7 = arith.constant 0 : index
      %get3A_8 = arith.constant 0 : index
      %get3A_9 = arith.constant 0 : index
      %get3A_10 = vector.load %arg4[%get3A_7, %get3A_8, %get3A_9] : memref<1x768x1024xf32, #tpu.memory_space<vmem>>, vector<1x768x1024xf32>
      %get3A_11 = vector.shape_cast %get3A_10 : vector<1x768x1024xf32> to vector<768x1024xf32>
      %get3A_12 = arith.constant 0 : index
      %get3A_13 = arith.constant 0 : index
      %get3A_14 = arith.constant 0 : index
      %get3A_15 = vector.load %arg5[%get3A_12, %get3A_13, %get3A_14] : memref<1x768x1024xf32, #tpu.memory_space<vmem>>, vector<1x768x1024xf32>
      %get3A_16 = vector.shape_cast %get3A_15 : vector<1x768x1024xf32> to vector<768x1024xf32>
      %get3A_17 = arith.constant 0 : index
      %get3A_18 = arith.constant 0 : index
      %get3A_19 = arith.constant 0 : index
      %get3A_20 = vector.load %arg6[%get3A_17, %get3A_18, %get3A_19] : memref<1x1024x768xf32, #tpu.memory_space<vmem>>, vector<1x1024x768xf32>
      %get3A_21 = vector.shape_cast %get3A_20 : vector<1x1024x768xf32> to vector<1024x768xf32>
      %dot_general3A = arith.constant dense<0.000000e+00> : vector<128x768xf32>
      %dot_general3A_22 = tpu.matmul %get3A_6, %get3A_11, %dot_general3A {dimension_numbers = #tpu.dot_dimension_numbers<[1], [1], [0], [0], [0, 0, 1, 0], [], []>, transpose_lhs_hint = false} : vector<128x1024xf32>, vector<768x1024xf32>, vector<128x768xf32> -> vector<128x768xf32>
      %dot_general3A_23 = arith.constant dense<0.000000e+00> : vector<128x768xf32>
      %dot_general3A_24 = tpu.matmul %get3A_6, %get3A_16, %dot_general3A_23 {dimension_numbers = #tpu.dot_dimension_numbers<[1], [1], [0], [0], [0, 0, 1, 0], [], []>, transpose_lhs_hint = false} : vector<128x1024xf32>, vector<768x1024xf32>, vector<128x768xf32> -> vector<128x768xf32>
      %logistic3A = arith.negf %dot_general3A_22 : vector<128x768xf32>
      %logistic3A_25 = math.exp %logistic3A : vector<128x768xf32>
      %logistic3A_26 = arith.constant 1.000000e+00 : f32
      %logistic3A_27 = vector.broadcast %logistic3A_26 : f32 to vector<128x768xf32>
      %logistic3A_28 = arith.addf %logistic3A_27, %logistic3A_25 : vector<128x768xf32>
      %logistic3A_29 = arith.divf %logistic3A_27, %logistic3A_28 : vector<128x768xf32>
      %mul3A = arith.mulf %dot_general3A_22, %logistic3A_29 : vector<128x768xf32>
      %mul3A_30 = arith.mulf %mul3A, %dot_general3A_24 : vector<128x768xf32>
      %dot_general3A_31 = arith.constant dense<0.000000e+00> : vector<128x1024xf32>
      %dot_general3A_32 = tpu.matmul %mul3A_30, %get3A_21, %dot_general3A_31 {dimension_numbers = #tpu.dot_dimension_numbers<[1], [1], [0], [0], [0, 0, 1, 0], [], []>, transpose_lhs_hint = false} : vector<128x768xf32>, vector<1024x768xf32>, vector<128x1024xf32> -> vector<128x1024xf32>
      %swap3A = arith.constant 0 : index
      %swap3A_33 = arith.constant 0 : index
      %swap3A_34 = vector.load %arg7[%swap3A, %swap3A_33] : memref<128x1024xf32, #tpu.memory_space<vmem>>, vector<128x1024xf32>
      tpu.vector_store %arg7[%swap3A, %swap3A_33], %dot_general3A_32 {strides = array<i32>} : memref<128x1024xf32, #tpu.memory_space<vmem>>, vector<128x1024xf32>,
    } else {
    }
    return
  }
  func.func @transform_0(%arg0: i32, %arg1: memref<1x128xi32, #tpu.memory_space<smem>>, %arg2: memref<1x128xi32, #tpu.memory_space<smem>>) -> (i32, i32) {
    %c0_i32 = arith.constant 0 : i32
    %c0_i32_0 = arith.constant 0 : i32
    return %arg0, %c0_i32 : i32, i32
  }
  func.func @transform_1(%arg0: i32, %arg1: memref<1x128xi32, #tpu.memory_space<smem>>, %arg2: memref<1x128xi32, #tpu.memory_space<smem>>) -> (i32, i32, i32) {
    %get3A = arith.constant 0 : index
    %get3A_0 = arith.index_cast %arg0 : i32 to index
    %get3A_1 = memref.load %arg1[%get3A, %get3A_0] : memref<1x128xi32, #tpu.memory_space<smem>>
    %c0_i32 = arith.constant 0 : i32
    %c0_i32_2 = arith.constant 0 : i32
    %c0_i32_3 = arith.constant 0 : i32
    return %get3A_1, %c0_i32, %c0_i32_2 : i32, i32, i32
  }
  func.func @transform_2(%arg0: i32, %arg1: memref<1x128xi32, #tpu.memory_space<smem>>, %arg2: memref<1x128xi32, #tpu.memory_space<smem>>) -> (i32, i32, i32) {
    %get3A = arith.constant 0 : index
    %get3A_0 = arith.index_cast %arg0 : i32 to index
    %get3A_1 = memref.load %arg1[%get3A, %get3A_0] : memref<1x128xi32, #tpu.memory_space<smem>>
    %c0_i32 = arith.constant 0 : i32
    %c0_i32_2 = arith.constant 0 : i32
    %c0_i32_3 = arith.constant 0 : i32
    return %get3A_1, %c0_i32, %c0_i32_2 : i32, i32, i32
  }
  func.func @transform_3(%arg0: i32, %arg1: memref<1x128xi32, #tpu.memory_space<smem>>, %arg2: memref<1x128xi32, #tpu.memory_space<smem>>) -> (i32, i32, i32) {
    %get3A = arith.constant 0 : index
    %get3A_0 = arith.index_cast %arg0 : i32 to index
    %get3A_1 = memref.load %arg1[%get3A, %get3A_0] : memref<1x128xi32, #tpu.memory_space<smem>>
    %c0_i32 = arith.constant 0 : i32
    %c0_i32_2 = arith.constant 0 : i32
    %c0_i32_3 = arith.constant 0 : i32
    return %get3A_1, %c0_i32, %c0_i32_2 : i32, i32, i32
  }
  func.func @transform_4(%arg0: i32, %arg1: memref<1x128xi32, #tpu.memory_space<smem>>, %arg2: memref<1x128xi32, #tpu.memory_space<smem>>) -> (i32, i32) {
    %c0_i32 = arith.constant 0 : i32
    %c0_i32_0 = arith.constant 0 : i32
    return %arg0, %c0_i32 : i32, i32
  }
}

</mosaic_0001>

<sc_bundles>
// kernel: gather_offload_async_start.1
scs
__scs_entry_jumppad:
0x0: {  	(pc) =	sbr.rel $0x88, $3  }
0x1: {  	(tag) =	ssettag $0x0;
	lr =	simm.s32 $0x1  }
0x2: {  	[smem:$0x3F9C] =	sst lr;
	_ =	strace $0xD0000000  }
0x3: {  	_ = 	snop  }
0x4: {  	_ = 	snop  }
0x5: {  	_ = 	snop  }
0x6: {  	_ = 	snop  }
0x7: {  	_ = 	snop  }
__scs_overlays_trampoline_lowered:
0x8: {  	[smem:$0x3FAB] =	sst s0  }
0x9: {  	[smem:$0x3FAC] =	sst s1  }
0xa: {  	[smem:$0x3FAD] =	sst s2  }
0xb: {  	[smem:$0x3FAE] =	sst s3  }
0xc: {  	[smem:$0x3FAF] =	sst s4  }
0xd: {  	[smem:$0x3FB0] =	sst s5  }
0xe: {  	[smem:$0x3FB1] =	sst s6  }
0xf: {  	[smem:$0x3FB2] =	sst s7  }
0x10: {  	[smem:$0x3FB3] =	sst s8  }
0x11: {  	[smem:$0x3FB4] =	sst s9;
	s0 =	simm.s32 @!p0 $0x0  }
0x12: {  	s1 =	sld [smem:$0x3F9A];
	s0 =	simm.s32 @p0 $0x1  }
0x13: {  	[smem:$0x3FB5] =	sst s0;
	s0 =	simm.s32 @!p1 $0x0  }
0x14: {  	s2 =	sld [smem:$0x3F99];
	s0 =	simm.s32 @p1 $0x1  }
0x15: {  	[smem:$0x3FB6] =	sst s0;
	s0 =	simm.s32 @!p2 $0x0  }
0x16: {  	s3 =	sld [smem:$0x3FDB];
	s0 =	simm.s32 @p2 $0x1  }
0x17: {  	s4 =	simm.s32 $0x1BF5;
	[smem:$0x3FB8] =	sst s0  }
0x18: {  	s0 =	sld [smem:$0x3F9B];
	_ =	swait.ge [sflag:s4], $0x0  }
0x19: {  	s7 =	sld [smem:$0x3F9C]  }
0x1a: {  	s8 =	sadd.s32 $0xFFFFE003, lr  }
0x1b: {  	s9 =	sadd.s32 $0xFFFFFEF7, lr;
	s5 =	simm.s32 $0xFFFFFFFF;
	p2 =	slt.u32 s8, $0xFFFFF086  }
0x1c: {  	p1 =	slt.u32 s9, $0xF7A;
	s5 =	simm.s32 @!p2 $0x0  }
0x1d: {  	s5 =	simm.s32 @p1 $0x1;
	p0 =	seq.s32 s7, s2  }
0x1e: {  	s7 =	smul.u32 @!p0 $0xF7A, s2;
	p2 =	seq.s32 @!p0 s5, $0x0  }
0x1f: {  	s9 =	smul.u32 $0xF7A, s1;
	s8 =	simm.s32 @!p0 $0x1BF5;
	p2 =	por !p2, p0  }
0x20: {  	[sflag:s8] =	ssyncset.s32 @!p0 $0xFFFFF086;
	s6 =	sadd.s32 @!p0 s3, s7;
	s7 =	simm.s32 @!p0 $0x108  }
0x21: {  	s3 =	sadd.s32 s3, s9;
	s6 =	sadd.s32 @!p0 $0x88, s6;
	s7 =	simm.s32 @p2 $0x1082  }
0x22: {  	[simem:s7], [sflag:s8] =	dma.local @!p0 [hbm:s6], $0xF7A  }
0x23: {  	s9 =	sor.u32 $0xD0000000, s2;
	s6 =	simm.s32 $0x108;
	_ =	swait.ge @!p0 [sflag:s8], $0x0  }
0x24: {  	s3 =	sadd.s32 $0x88, s3;
	s6 =	simm.s32 @!p1 $0x1082;
	[sflag:s4] =	ssyncset.s32 $0xFFFFF086  }
0x25: {  	[simem:s6], [sflag:s4] =	dma.local [hbm:s3], $0xF7A  }
0x26: {  	[smem:$0x3F9C] =	sst s1;
	(tag) =	ssettag s2;
	_ =	strace s9  }
0x27: {  	s1 =	sld [smem:$0x3FAC]  }
0x28: {  	s2 =	sld [smem:$0x3FAD]  }
0x29: {  	s4 =	sld [smem:$0x3FAF]  }
0x2a: {  	p0 =	seq.s32 s5, $0x0;
	s5 =	sld [smem:$0x3FB0]  }
0x2b: {  	s6 =	sld [smem:$0x3FB1]  }
0x2c: {  	s7 =	sld [smem:$0x3FB2]  }
0x2d: {  	s3 =	simm.s32 $0x108;
	s8 =	sld [smem:$0x3FB3]  }
0x2e: {  	s3 =	simm.s32 @!p0 $0x1082;
	s9 =	sld [smem:$0x3FB4]  }
0x2f: {  	lr =	sadd.s32 s0, s3;
	s0 =	sld [smem:$0x3FAB]  }
0x30: {  	s3 =	sld [smem:$0x3FAE]  }
0x31: {  	[smem:$0x3FB7] =	sst s10  }
0x32: {  	s10 =	sld [smem:$0x3FB5];
	_ =	sdelay $0x3  }
0x33: {  	p0 =	seq.s32 s10, $0x1;
	s10 =	sld [smem:$0x3FB7];
	_ =	sdelay $0x3  }
0x34: {  	[smem:$0x3FB7] =	sst s10  }
0x35: {  	s10 =	sld [smem:$0x3FB6];
	_ =	sdelay $0x3  }
0x36: {  	p1 =	seq.s32 s10, $0x1;
	s10 =	sld [smem:$0x3FB7];
	_ =	sdelay $0x3  }
0x37: {  	[smem:$0x3FB7] =	sst s10  }
0x38: {  	s10 =	sld [smem:$0x3FB8]  }
0x39: {  	_ = 	snop;
	(pc) =	sbr.ind lr, $3  }
0x3a: {  	_ = 	snop  }
0x3b: {  	_ = 	snop  }
0x3c: {  	p2 =	seq.s32 s10, $0x1;
	s10 =	sld [smem:$0x3FB7]  }
0x3d: {  	_ =	shalt  }
0x3e: {  	_ =	shalt  }
0x3f: {  	_ =	shalt  }
0x40: {  	_ =	shalt  }
0x41: {  	_ =	shalt  }
0x42: {  	_ =	shalt  }
0x43: {  	_ =	shalt  }
0x44: {  	_ =	shalt  }
0x45: {  	_ =	shalt  }
0x46: {  	_ =	shalt  }
0x47: {  	_ =	shalt  }
0x48: {  	_ =	shalt  }
0x49: {  	_ =	shalt  }
0x4a: {  	_ =	shalt  }
0x4b: {  	_ =	shalt  }
0x4c: {  	_ =	shalt  }
0x4d: {  	_ =	shalt  }
0x4e: {  	_ =	shalt  }
0x4f: {  	_ =	shalt  }
0x50: {  	_ =	shalt  }
0x51: {  	_ =	shalt  }
0x52: {  	_ =	shalt  }
0x53: {  	_ =	shalt  }
0x54: {  	_ =	shalt  }
0x55: {  	_ =	shalt  }
0x56: {  	_ =	shalt  }
0x57: {  	_ =	shalt  }
0x58: {  	_ =	shalt  }
0x59: {  	_ =	shalt  }
0x5a: {  	_ =	shalt  }
0x5b: {  	_ =	shalt  }
0x5c: {  	_ =	shalt  }
0x5d: {  	_ =	shalt  }
0x5e: {  	_ =	shalt  }
0x5f: {  	_ =	shalt  }
0x60: {  	_ =	shalt  }
0x61: {  	_ =	shalt  }
0x62: {  	_ =	shalt  }
0x63: {  	_ =	shalt  }
0x64: {  	_ =	shalt  }
0x65: {  	_ =	shalt  }
0x66: {  	_ =	shalt  }
0x67: {  	_ =	shalt  }
0x68: {  	_ =	shalt  }
0x69: {  	_ =	shalt  }
0x6a: {  	_ =	shalt  }
0x6b: {  	_ =	shalt  }
0x6c: {  	_ =	shalt  }
0x6d: {  	_ =	shalt  }
0x6e: {  	_ =	shalt  }
0x6f: {  	_ =	shalt  }
0x70: {  	_ =	shalt  }
0x71: {  	_ =	shalt  }
0x72: {  	_ =	shalt  }
0x73: {  	_ =	shalt  }
0x74: {  	_ =	shalt  }
0x75: {  	_ =	shalt  }
0x76: {  	_ =	shalt  }
0x77: {  	_ =	shalt  }
0x78: {  	_ =	shalt  }
0x79: {  	_ =	shalt  }
0x7a: {  	_ =	shalt  }
0x7b: {  	_ =	shalt  }
0x7c: {  	_ =	shalt  }
0x7d: {  	_ =	shalt  }
0x7e: {  	_ =	shalt  }
0x7f: {  	_ =	shalt  }
0x80: {  	_ =	shalt  }
0x81: {  	_ =	shalt  }
0x82: {  	_ =	shalt  }
0x83: {  	_ =	shalt  }
0x84: {  	_ =	shalt  }
0x85: {  	_ =	shalt  }
0x86: {  	_ =	shalt  }
0x87: {  	_ =	shalt  }
.Lfunc_end0:
.L_simem_size_0:
called_computation.1_lowered:
.L_overlay_start_0:
0x88: {  	s2 =	sld [smem:$0x3FD9]  }
0x89: {  	s3 =	sld [smem:$0x3FFE];
	_ =	sdelay $0x1  }
0x8a: {  	s1 =	srdreg.scid  }
0x8b: {  	s0 =	sand.u32 $0x1, s1  }
0x8c: {  	s16 =	sshll.u32 s0, $0xA;
	s2 =	sadd.s32 s3, s2  }
0x8d: {  	s2 =	sadd.s32 s2, s16  }
0x8e: {  	[smem:$0x3FC3] =	sst s2  }
0x8f: {  	_ = 	snop  }
0x90: {  	(tm) =	ssettm $0x1  }
0x91: {  	s17 =	sld [smem:$0x3FFB];
	_ =	sdelay $0x3  }
0x92: {  	_ =	strace s17  }
0x93: {  	s2 =	sld [smem:$0x3FFC];
	_ =	sdelay $0x3  }
0x94: {  	_ =	strace s2  }
0x95: {  	s2 =	sld [smem:$0x3FFD];
	_ =	sdelay $0x3  }
0x96: {  	_ =	strace s2  }
0x97: {  	_ =	strace $0x8FFFFFFF  }
0x98: {  	s18 =	sld [smem:$0x3FDB];
	_ =	sdelay $0x1  }
0x99: {  	s19 =	simm.s32 $_scs_section_size  }
0x9a: {  	s4 =	simm.s32 $_size__tile_overlayer_lowered;
	s5 =	simm.s32 $_tile_overlayer_lowered  }
0x9b: {  	s22 =	simm.s32 $0x1BFF;
	s21 =	sshll.u32 s5, $0x1;
	s2 =	sadd.s32 s19, s18  }
0x9c: {  	s6 =	simm.s32 $0x0;
	s20 =	sshll.u32 s4, $0x1;
	s4 =	sadd.s32 s21, s2  }
0x9d: {  	[timem:s6], [sflag:s22] =	dma.local [hbm:s4], s20  }
0x9e: {  	_ =	swait.ge [sflag:s22], s20  }
0x9f: {  	s3 =	ssub.s32 $0x0, s20;
	[sflag:s22] =	ssyncset.done $0x0  }
0xa0: {  	[sflag:s22] =	ssyncadd.s32 s3;
	_ =	sdelay $0x1  }
0xa1: {  	s23 =	simm.s32 $0x1B8B  }
0xa2: {  	_ =	swait.ge [sflag:s23], $0x1  }
0xa3: {  	[sflag:s23] =	ssyncset.done $0x0  }
0xa4: {  	s25 =	simm.s32 $0x1B8E;
	s24 =	sld [smem:$0x3FFE];
	[sflag:s23] =	ssyncadd.s32 $0xFFFFFFFF  }
0xa5: {  	s26 =	simm.s32 $execute0_lowered;
	[smem:$0x3FD2] =	sst s25  }
0xa6: {  	s4 =	sshll.u32 s26, $0x1;
	_ =	strace $0x80000046;
	[dreg:$0x1] =	wrdreg $0xFFFFFFFF  }
0xa7: {  	s28 =	simm.s32 $_size_execute0_lowered;
	s2 =	sadd.s32 s2, s4;
	[dreg:$0x0] =	wrdreg $0x0  }
0xa8: {  	s4 =	sshll.u32 s28, $0x1;
	[dreg:$0x2] =	wrdreg s2  }
0xa9: {  	[dreg:$0x3] =	wrdreg s4  }
0xaa: {  	[dreg:$0x4] =	wrdreg $0xC0  }
0xab: {  	_ =	task [dreg:s6], $0x5FFFF  }
0xac: {  	[dreg:$0x1] =	wrdreg $0xFFFFFFFF  }
0xad: {  	[dreg:$0x0] =	wrdreg $0x60  }
0xae: {  	[dreg:$0x2] =	wrdreg s24  }
0xaf: {  	[dreg:$0x3] =	wrdreg $0xA  }
0xb0: {  	_ =	task.clear_ibuf [dreg:s6], $0x4FFFF;
	_ =	strace $0x90000046  }
0xb1: {  	s29 =	simm.s32 $0xA;
	_ =	strace $0x80000048  }
0xb2: {  	_ =	swait.ge [sflag:s29], $0x1  }
0xb3: {  	[sflag:s29] =	ssyncadd.s32 $0xFFFFFFFF  }
0xb4: {  	_ =	strace $0x90000048  }
0xb5: {  	_ =	sfence  }
0xb6: {  	s30 =	sld [smem:$0x0];
	_ =	sdelay $0x2  }
0xb7: {  	s31 =	sshll.u32 s1, $0xD;
	s1 =	sshrl.u32 s1, $0x2  }
0xb8: {  	s3 =	sand.u32 $0x4000, s31;
	s1 =	sadd.s32 s1, s30  }
0xb9: {  	s0 =	sor.u32 s3, s0;
	s1 =	sshll.u32 s1, $0x11  }
0xba: {  	s0 =	sor.u32 s1, s0  }
0xbb: {  	s0 =	sadd.s32 $0x8F2B, s0  }
0xbc: {  	[sflag:s0] =	ssyncadd.remote.s32 $0x1  }
0xbd: {  	_ =	sfence.sel $0xFFFF  }
0xbe: {  	[dreg:$0x0] =	wrdreg $0xFFFFFFFF;
	(pc) =	sbr.abs _section_cstart, $3  }
0xbf: {  	[dreg:$0x1] =	wrdreg $0xFFFFFFFF  }
0xc0: {  	_ =	task.clear_ibuf [dreg:s6], $0x2FFFF;
	_ =	strace $0x9FFFFFFF  }
0xc1: {  	(tm) =	ssettm $0x7FFFFFFF  }
tec
execute0_lowered:
.L_overlay_start_1:
0x0: {  	(tag) =	ssettag $0x1  }
0x1: {  	s7 =	rddreg [dreg:$0x0]  }
0x2: {  	s0 =	rddreg [dreg:$0x1];
	_ =	strace $0x80000047  }
0x3: {  	s1 =	srdreg.scid;
	s4 =	simm.s32 $0x1;
	s9 =	simm.s32 $0x3  }
0x4: {  	s11 =	simm.s32 $0x0;
	p0 =	por $0x0, $0x0;
	s5 =	sshll.u32 s1, $0x4  }
.Ltmp0:
0x5: {  	s1 =	stileid.u32;
	s5 =	sand.u32 $0x10, s5;
	(pc) =	sbr.rel .LBB2_1-.Ltmp0, $4  }
0x6: {  	s2 =	sadd.s32 $0x9200, s7;
	s3 =	sadd.s32 $0x8E00, s7;
	s6 =	sor.u32 s1, s5  }
0x7: {  	[sflag:s4] =	ssyncpa.u1 $0x0;
	s5 =	simm.s32 $0x2;
	s6 =	sshll.u32 s6, $0x6  }
0x8: {  	s7 =	sadd.s32 $0xA9200, s7;
	[sflag:s5] =	ssyncpa.u1 $0x0;
	s8 =	sadd.s32 $0x40, s6  }
0x9: {  	vm0 =	vmmov $0xff;
	vm1 =	vcmask $0x3F20;
	[sflag:s9] =	ssyncpa.u1 $0x0;
	s10 =	smov.u32 s6;
	s9 =	simm.s32 $0x0  }
.LBB2_9:
0xa: {  	p1 =	slt.u32 s9, $0x2;
	s11 =	sadd.s32 $0x20, s10  }
0xb: {  	s13 =	smov.u32 s6;
	s9 =	sadd.s32 $0x1, s9;
	p2 =	slt.s32 s11, s8  }
0xc: {  	s13 =	smov.u32 @p2 s11;
	p2 =	sne.s32 s9, $0x4  }
.Ltmp1:
0xd: {  	_ = 	snop;
	(pc) =	sbr.rel @!p2 .LBB2_10-.Ltmp1, $4  }
0xe: {  	s12 =	simm.s32 @!p1 $0x3  }
0xf: {  	_ =	swait.ge @!p1 [sflag:s12], $0x8000  }
0x10: {  	p0 =	por !p0, !p0;
	[sflag:s12] =	ssyncset.done @!p1 $0x0  }
0x11: {  	s11 =	smov.u32 s10;
	s10 =	smov.u32 s13;
	[sflag:s12] =	ssyncadd.s32 @!p1 $0xFFFF8000  }
.LBB2_1:
0x12: {  	p1 =	sgt.u32 s9, $0x1  }
0x13: {  	s12 =	sshll.u32 @!p1 s9, $0x5;
	s13 =	sshrl.u32 @!p1 s10, $0x3  }
0x14: {  	s14 =	sand.u32 @!p1 $0x7, s10;
	s12 =	sxor.u32 @!p1 $0x20, s12;
	s13 =	sadd.s32 @!p1 s3, s13  }
0x15: {  	[tilespmem:s12], [sflag:$0x2] =	stream.linear.gather @!p1 [hbm4b:s13+s14], $0x20, $0x38;
	[tilespmem:$0x10040] =	vst v63  }
0x16: {  	p1 =	seq.s32 s9, $0x0  }
0x17: {  	p2 =	seq.s32 @!p1 s9, $0x3  }
0x18: {  	p1 =	por p1, p2  }
.Ltmp2:
0x19: {  	_ = 	snop;
	(pc) =	sbr.rel @p1 .LBB2_9-.Ltmp2, $1  }
0x1a: {  	_ =	sdelay $0x3  }
0x1b: {  	s12 =	simm.s32 $0x1  }
0x1c: {  	_ =	swait.ge [sflag:s5], $0x20;
	s13 =	sand.u32 $0x1, s9;
	s12 =	simm.s32 @!p0 $0x0  }
0x1d: {  	s15 =	simm.s32 $0x0;
	p2 =	por $0x1, $0x1;
	s12 =	sshll.u32 s12, $0x11  }
0x1e: {  	[sflag:s5] =	ssyncset.done $0x0;
	s13 =	sshll.u32 s13, $0x5;
	s14 =	sshrl.u32 s12, $0x2  }
0x1f: {  	[sflag:s5] =	ssyncadd.s32 $0xFFFFFFE0;
	s12 =	sor.u32 $0x40, s14;
	s14 =	sadd.s32 $0x40, s14  }
.LBB2_3:
0x20: {  	s16 =	sshll.u32 s15, $0x4  }
0x21: {  	s16 =	sand.u32 $0x3FFFFFF0, s16  }
0x22: {  	s16 =	sadd.s32 s16, s13  }
0x23: {  	v0 =	vld.msk [tilespmem:s16+$0x0 ss:$0x1], $0xffff;
	_ =	sdelay $0x4  }
0x24: {  	vm2 =	vgt.s32 v0, $0x0  }
0x25: {  	v0 =	vnsel vm2, $0x0, v0  }
0x26: {  	v0 =	vmin.u32 v0, $0x13FF  }
0x27: {  	v1 =	vshll.u32 v0, $0x7;
	v0 =	vshll.u32 v0, $0x4  }
0x28: {  	v1 =	vand.u32 $0xFFC00, v1;
	v0 =	vand.u32 $0x70, v0  }
0x29: {  	v0 =	vor.u32 v0, v1  }
0x2a: {  	s31 =	sshll.u32 s15, $0x10  }
0x2b: {  	s15 =	sshra.s32 s31, $0x2  }
0x2c: {  	s15 =	sadd.s32 s15, s14  }
0x2d: {  	s17 =	sadd.s32 $0x0, s15  }
0x2e: {  	[tilespmem:s17], [sflag:$0x1] =	stream.indirect_vreg.gather [hbm:s2], $0x80, v0, vm0, $0x38;
	[tilespmem:$0x10040] =	vst v63  }
0x2f: {  	p1 =	por p2, p2;
	s16 =	simm.s32 $0x1000;
	v1 =	vadd.s32 $0x80, v0;
	s17 =	sadd.s32 $0x2000, s17  }
.LBB2_4:
0x30: {  	[tilespmem:s17], [sflag:$0x1] =	stream.indirect_vreg.gather [hbm:s2], $0x80, v0, vm1, $0x38;
	[tilespmem:$0x10040] =	vst v63  }
0x31: {  	v0 =	vmov v1;
	s17 =	smov.u32 s16;
	p2 =	sne.s32 s16, $0x7000  }
.Ltmp3:
0x32: {  	s16 =	sadd.s32 $0x1000, s16;
	(pc) =	sbr.rel @p2 .LBB2_4-.Ltmp3, $4  }
0x33: {  	s17 =	sshra.s32 s17, $0x2  }
0x34: {  	s17 =	sadd.s32 s17, s15  }
0x35: {  	[tilespmem:s17], [sflag:$0x1] =	stream.indirect_vreg.gather [hbm:s2], $0x80, v1, vm0, $0x38;
	[tilespmem:$0x10040] =	vst v63  }
0x36: {  	s17 =	sadd.s32 $0x2000, s17;
	v1 =	vadd.s32 $0x80, v1  }
0x37: {  	_ = 	snop  }
.Ltmp4:
0x38: {  	_ = 	snop;
	(pc) =	sbr.rel @p1 .LBB2_3-.Ltmp4, $3  }
0x39: {  	_ =	sdelay $0x1  }
0x3a: {  	[tilespmem:s17], [sflag:$0x1] =	stream.indirect_vreg.gather [hbm:s2], $0x80, v0, vm1, $0x38;
	[tilespmem:$0x10040] =	vst v63  }
0x3b: {  	s15 =	simm.s32 $0x1;
	p2 =	por $0x0, $0x0  }
0x3c: {  	s13 =	sshll.u32 s11, $0x7  }
0x3d: {  	s31 =	sshll.u32 s11, $0x4;
	s13 =	sand.u32 $0xFFFFFC00, s13  }
0x3e: {  	_ =	swait.ge [sflag:s4], $0x8000;
	s11 =	sand.u32 $0x70, s31;
	s13 =	sadd.s32 s13, s7  }
0x3f: {  	s14 =	sadd.s32 $0x2000, s12;
	[sflag:s4] =	ssyncset.done $0x0;
	s11 =	sadd.s32 s11, s13  }
0x40: {  	[sflag:s4] =	ssyncadd.s32 $0xFFFF8000;
	s13 =	simm.s32 $0x400;
	s15 =	sadd.s32 $0x0, s11  }
.LBB2_7:
0x41: {  	[hbm:s15] =	stream.linear.scatter [tilespmem:s12], [sflag:$0x3], $0x2000, $0x38;
	[tilespmem:$0x10040] =	vst v63  }
0x42: {  	s15 =	smov.u32 s13;
	s12 =	smov.u32 s14;
	p1 =	sne.s32 s13, $0xC00  }
.Ltmp5:
0x43: {  	s13 =	sadd.s32 $0x400, s13;
	(pc) =	sbr.rel @p1 .LBB2_7-.Ltmp5, $2  }
0x44: {  	_ =	sdelay $0x2  }
0x45: {  	s14 =	sadd.s32 $0x2000, s14;
	s15 =	sadd.s32 s15, s11  }
.Ltmp6:
0x46: {  	(pc) =	sbr.rel .LBB2_9-.Ltmp6, $2  }
0x47: {  	_ =	sdelay $0x2  }
0x48: {  	[hbm:s15] =	stream.linear.scatter [tilespmem:s12], [sflag:$0x3], $0x2000, $0x38;
	[tilespmem:$0x10040] =	vst v63  }
.LBB2_10:
0x49: {  	_ =	sfence.sel $0x180000  }
0x4a: {  	s2 =	simm.s32 $0x2;
	[bflag:$0x0] =	sbarrier.arrive $0xFFFF  }
0x4b: {  	s30 =	simm.s32 $0x3;
	[sflag:s2] =	ssyncpa.u1 $0x1  }
0x4c: {  	s31 =	simm.s32 $0x1;
	[sflag:s30] =	ssyncpa.u1 $0x1  }
0x4d: {  	[sflag:s31] =	ssyncpa.u1 $0x1  }
0x4e: {  	p0 =	sne.s32 s1, $0x0;
	_ =	strace $0x90000047  }
0x4f: {  	s0 =	sadd.s32 @!p0 $0x100000, s0;
	[bflag:$0x2] =	sbarrier.arrive $0xFFFF  }
0x50: {  	[sflag:s0] =	ssyncadd.tile.s32 @!p0 $0x1;
	_ =	shalt  }
.Lfunc_end2:
_tile_overlayer_lowered:
.L_overlay_start_2:
0x51: {  	(tag) =	ssettag $0x2  }
0x52: {  	s0 =	rddreg [dreg:$0x0];
	s2 =	stileid.u32  }
0x53: {  	s1 =	rddreg [dreg:$0x1];
	p0 =	sne.s32 s2, $0x0  }
0x54: {  	s3 =	rddreg [dreg:$0x2];
	[bflag:$0x3] =	sbarrier.arrive $0xFFFF;
	s2 =	simm.s32 @!p0 $0x1C01  }
0x55: {  	[timem:s3], [sflag:s2] =	dma.local @!p0 [hbm:s0], s1  }
0x56: {  	s0 =	simm.s32 @!p0 $0x1  }
0x57: {  	_ =	swait.ge @!p0 [sflag:s0], s1  }
0x58: {  	s1 =	ssub.s32 @!p0 $0x0, s1;
	[sflag:s0] =	ssyncset.done @!p0 $0x0  }
0x59: {  	[sflag:s0] =	ssyncadd.s32 @!p0 s1  }
0x5a: {  	[bflag:$0x3] =	sbarrier.arrive $0xFFFF  }
0x5b: {  	_ =	shalt  }

// kernel: gather_offload_async_start
scs
__scs_entry_jumppad:
0x0: {  	(pc) =	sbr.rel $0x88, $3  }
0x1: {  	(tag) =	ssettag $0x0;
	lr =	simm.s32 $0x1  }
0x2: {  	[smem:$0x3F9C] =	sst lr;
	_ =	strace $0xD0000000  }
0x3: {  	_ = 	snop  }
0x4: {  	_ = 	snop  }
0x5: {  	_ = 	snop  }
0x6: {  	_ = 	snop  }
0x7: {  	_ = 	snop  }
__scs_overlays_trampoline_lowered:
0x8: {  	[smem:$0x3FAB] =	sst s0  }
0x9: {  	[smem:$0x3FAC] =	sst s1  }
0xa: {  	[smem:$0x3FAD] =	sst s2  }
0xb: {  	[smem:$0x3FAE] =	sst s3  }
0xc: {  	[smem:$0x3FAF] =	sst s4  }
0xd: {  	[smem:$0x3FB0] =	sst s5  }
0xe: {  	[smem:$0x3FB1] =	sst s6  }
0xf: {  	[smem:$0x3FB2] =	sst s7  }
0x10: {  	[smem:$0x3FB3] =	sst s8  }
0x11: {  	[smem:$0x3FB4] =	sst s9;
	s0 =	simm.s32 @!p0 $0x0  }
0x12: {  	s1 =	sld [smem:$0x3F9A];
	s0 =	simm.s32 @p0 $0x1  }
0x13: {  	[smem:$0x3FB5] =	sst s0;
	s0 =	simm.s32 @!p1 $0x0  }
0x14: {  	s2 =	sld [smem:$0x3F99];
	s0 =	simm.s32 @p1 $0x1  }
0x15: {  	[smem:$0x3FB6] =	sst s0;
	s0 =	simm.s32 @!p2 $0x0  }
0x16: {  	s3 =	sld [smem:$0x3FDB];
	s0 =	simm.s32 @p2 $0x1  }
0x17: {  	s4 =	simm.s32 $0x1BF5;
	[smem:$0x3FB8] =	sst s0  }
0x18: {  	s0 =	sld [smem:$0x3F9B];
	_ =	swait.ge [sflag:s4], $0x0  }
0x19: {  	s7 =	sld [smem:$0x3F9C]  }
0x1a: {  	s8 =	sadd.s32 $0xFFFFE003, lr  }
0x1b: {  	s9 =	sadd.s32 $0xFFFFFEF7, lr;
	s5 =	simm.s32 $0xFFFFFFFF;
	p2 =	slt.u32 s8, $0xFFFFF086  }
0x1c: {  	p1 =	slt.u32 s9, $0xF7A;
	s5 =	simm.s32 @!p2 $0x0  }
0x1d: {  	s5 =	simm.s32 @p1 $0x1;
	p0 =	seq.s32 s7, s2  }
0x1e: {  	s7 =	smul.u32 @!p0 $0xF7A, s2;
	p2 =	seq.s32 @!p0 s5, $0x0  }
0x1f: {  	s9 =	smul.u32 $0xF7A, s1;
	s8 =	simm.s32 @!p0 $0x1BF5;
	p2 =	por !p2, p0  }
0x20: {  	[sflag:s8] =	ssyncset.s32 @!p0 $0xFFFFF086;
	s6 =	sadd.s32 @!p0 s3, s7;
	s7 =	simm.s32 @!p0 $0x108  }
0x21: {  	s3 =	sadd.s32 s3, s9;
	s6 =	sadd.s32 @!p0 $0x88, s6;
	s7 =	simm.s32 @p2 $0x1082  }
0x22: {  	[simem:s7], [sflag:s8] =	dma.local @!p0 [hbm:s6], $0xF7A  }
0x23: {  	s9 =	sor.u32 $0xD0000000, s2;
	s6 =	simm.s32 $0x108;
	_ =	swait.ge @!p0 [sflag:s8], $0x0  }
0x24: {  	s3 =	sadd.s32 $0x88, s3;
	s6 =	simm.s32 @!p1 $0x1082;
	[sflag:s4] =	ssyncset.s32 $0xFFFFF086  }
0x25: {  	[simem:s6], [sflag:s4] =	dma.local [hbm:s3], $0xF7A  }
0x26: {  	[smem:$0x3F9C] =	sst s1;
	(tag) =	ssettag s2;
	_ =	strace s9  }
0x27: {  	s1 =	sld [smem:$0x3FAC]  }
0x28: {  	s2 =	sld [smem:$0x3FAD]  }
0x29: {  	s4 =	sld [smem:$0x3FAF]  }
0x2a: {  	p0 =	seq.s32 s5, $0x0;
	s5 =	sld [smem:$0x3FB0]  }
0x2b: {  	s6 =	sld [smem:$0x3FB1]  }
0x2c: {  	s7 =	sld [smem:$0x3FB2]  }
0x2d: {  	s3 =	simm.s32 $0x108;
	s8 =	sld [smem:$0x3FB3]  }
0x2e: {  	s3 =	simm.s32 @!p0 $0x1082;
	s9 =	sld [smem:$0x3FB4]  }
0x2f: {  	lr =	sadd.s32 s0, s3;
	s0 =	sld [smem:$0x3FAB]  }
0x30: {  	s3 =	sld [smem:$0x3FAE]  }
0x31: {  	[smem:$0x3FB7] =	sst s10  }
0x32: {  	s10 =	sld [smem:$0x3FB5];
	_ =	sdelay $0x3  }
0x33: {  	p0 =	seq.s32 s10, $0x1;
	s10 =	sld [smem:$0x3FB7];
	_ =	sdelay $0x3  }
0x34: {  	[smem:$0x3FB7] =	sst s10  }
0x35: {  	s10 =	sld [smem:$0x3FB6];
	_ =	sdelay $0x3  }
0x36: {  	p1 =	seq.s32 s10, $0x1;
	s10 =	sld [smem:$0x3FB7];
	_ =	sdelay $0x3  }
0x37: {  	[smem:$0x3FB7] =	sst s10  }
0x38: {  	s10 =	sld [smem:$0x3FB8]  }
0x39: {  	_ = 	snop;
	(pc) =	sbr.ind lr, $3  }
0x3a: {  	_ = 	snop  }
0x3b: {  	_ = 	snop  }
0x3c: {  	p2 =	seq.s32 s10, $0x1;
	s10 =	sld [smem:$0x3FB7]  }
0x3d: {  	_ =	shalt  }
0x3e: {  	_ =	shalt  }
0x3f: {  	_ =	shalt  }
0x40: {  	_ =	shalt  }
0x41: {  	_ =	shalt  }
0x42: {  	_ =	shalt  }
0x43: {  	_ =	shalt  }
0x44: {  	_ =	shalt  }
0x45: {  	_ =	shalt  }
0x46: {  	_ =	shalt  }
0x47: {  	_ =	shalt  }
0x48: {  	_ =	shalt  }
0x49: {  	_ =	shalt  }
0x4a: {  	_ =	shalt  }
0x4b: {  	_ =	shalt  }
0x4c: {  	_ =	shalt  }
0x4d: {  	_ =	shalt  }
0x4e: {  	_ =	shalt  }
0x4f: {  	_ =	shalt  }
0x50: {  	_ =	shalt  }
0x51: {  	_ =	shalt  }
0x52: {  	_ =	shalt  }
0x53: {  	_ =	shalt  }
0x54: {  	_ =	shalt  }
0x55: {  	_ =	shalt  }
0x56: {  	_ =	shalt  }
0x57: {  	_ =	shalt  }
0x58: {  	_ =	shalt  }
0x59: {  	_ =	shalt  }
0x5a: {  	_ =	shalt  }
0x5b: {  	_ =	shalt  }
0x5c: {  	_ =	shalt  }
0x5d: {  	_ =	shalt  }
0x5e: {  	_ =	shalt  }
0x5f: {  	_ =	shalt  }
0x60: {  	_ =	shalt  }
0x61: {  	_ =	shalt  }
0x62: {  	_ =	shalt  }
0x63: {  	_ =	shalt  }
0x64: {  	_ =	shalt  }
0x65: {  	_ =	shalt  }
0x66: {  	_ =	shalt  }
0x67: {  	_ =	shalt  }
0x68: {  	_ =	shalt  }
0x69: {  	_ =	shalt  }
0x6a: {  	_ =	shalt  }
0x6b: {  	_ =	shalt  }
0x6c: {  	_ =	shalt  }
0x6d: {  	_ =	shalt  }
0x6e: {  	_ =	shalt  }
0x6f: {  	_ =	shalt  }
0x70: {  	_ =	shalt  }
0x71: {  	_ =	shalt  }
0x72: {  	_ =	shalt  }
0x73: {  	_ =	shalt  }
0x74: {  	_ =	shalt  }
0x75: {  	_ =	shalt  }
0x76: {  	_ =	shalt  }
0x77: {  	_ =	shalt  }
0x78: {  	_ =	shalt  }
0x79: {  	_ =	shalt  }
0x7a: {  	_ =	shalt  }
0x7b: {  	_ =	shalt  }
0x7c: {  	_ =	shalt  }
0x7d: {  	_ =	shalt  }
0x7e: {  	_ =	shalt  }
0x7f: {  	_ =	shalt  }
0x80: {  	_ =	shalt  }
0x81: {  	_ =	shalt  }
0x82: {  	_ =	shalt  }
0x83: {  	_ =	shalt  }
0x84: {  	_ =	shalt  }
0x85: {  	_ =	shalt  }
0x86: {  	_ =	shalt  }
0x87: {  	_ =	shalt  }
.Lfunc_end0:
.L_simem_size_0:
called_computation_lowered:
.L_overlay_start_0:
0x88: {  	s2 =	sld [smem:$0x3FD9]  }
0x89: {  	s3 =	sld [smem:$0x3FFE];
	_ =	sdelay $0x1  }
0x8a: {  	s1 =	srdreg.scid  }
0x8b: {  	s0 =	sand.u32 $0x1, s1  }
0x8c: {  	s17 =	sshll.u32 s0, $0xA;
	s2 =	sadd.s32 s3, s2  }
0x8d: {  	s2 =	sadd.s32 s2, s17  }
0x8e: {  	[smem:$0x3FC3] =	sst s2  }
0x8f: {  	_ = 	snop  }
0x90: {  	s18 =	sld [smem:$0x3FD0];
	(tm) =	ssettm $0x1  }
0x91: {  	s19 =	sld [smem:$0x3FFB];
	_ =	sdelay $0x3  }
0x92: {  	_ =	strace s19  }
0x93: {  	s2 =	sld [smem:$0x3FFC];
	_ =	sdelay $0x3  }
0x94: {  	_ =	strace s2  }
0x95: {  	s2 =	sld [smem:$0x3FFD];
	_ =	sdelay $0x3  }
0x96: {  	_ =	strace s2  }
0x97: {  	_ =	strace $0x8FFFFFFF  }
0x98: {  	s20 =	sld [smem:$0x3FDB];
	_ =	sdelay $0x1  }
0x99: {  	s4 =	simm.s32 $_scs_section_size  }
0x9a: {  	s5 =	simm.s32 $_size__tile_overlayer_lowered;
	s6 =	simm.s32 $_tile_overlayer_lowered  }
0x9b: {  	s7 =	simm.s32 $0x1BFF;
	s21 =	sshll.u32 s6, $0x1;
	s4 =	sadd.s32 s4, s20  }
0x9c: {  	s22 =	simm.s32 $0x0;
	s5 =	sshll.u32 s5, $0x1;
	s6 =	sadd.s32 s21, s4  }
0x9d: {  	[timem:s22], [sflag:s7] =	dma.local [hbm:s6], s5  }
0x9e: {  	_ =	swait.ge [sflag:s7], s5  }
0x9f: {  	s5 =	ssub.s32 $0x0, s5;
	[sflag:s7] =	ssyncset.done $0x0  }
0xa0: {  	[sflag:s7] =	ssyncadd.s32 s5;
	_ =	sdelay $0x1  }
0xa1: {  	s23 =	simm.s32 $0x1B8B  }
0xa2: {  	_ =	swait.ge [sflag:s23], $0x1  }
0xa3: {  	[sflag:s23] =	ssyncset.done $0x0  }
0xa4: {  	[sflag:s23] =	ssyncadd.s32 $0xFFFFFFFF  }
0xa5: {  	s5 =	sld [smem:$0x0]  }
0xa6: {  	s6 =	sand.u32 $0xFFFFFFFE, s1  }
0xa7: {  	p0 =	sne.s32 s1, s6  }
0xa8: {  	s6 =	sshll.u32 @p0 s6, $0xE  }
0xa9: {  	s6 =	sadd.s32 @p0 $0x11B8D, s6;
	s7 =	sshll.u32 @p0 s5, $0x11  }
0xaa: {  	s6 =	sor.u32 @p0 s7, s6  }
0xab: {  	[sflag:s6] =	ssyncadd.remote.s32 @p0 $0x1;
	_ =	sdelay $0x1  }
0xac: {  	s6 =	simm.s32 @p0 $0x1B8D  }
0xad: {  	_ =	swait.eq @p0 [sflag:s6], $0x1  }
0xae: {  	[sflag:s6] =	ssyncadd.s32 @p0 $0xFFFFFFFF  }
0xaf: {  	s7 =	sshll.u32 @!p0 s1, $0xE  }
0xb0: {  	s7 =	sor.u32 @!p0 $0x4000, s7;
	s6 =	simm.s32 @!p0 $0x1B8D  }
0xb1: {  	s5 =	sshll.u32 @!p0 s5, $0x11;
	s7 =	sadd.s32 @!p0 $0x11B8D, s7;
	_ =	swait.eq @!p0 [sflag:s6], $0x1  }
0xb2: {  	s5 =	sor.u32 @!p0 s5, s7;
	[sflag:s6] =	ssyncadd.s32 @!p0 $0xFFFFFFFF  }
0xb3: {  	s25 =	simm.s32 $0x1B8E;
	s24 =	sld [smem:$0x3FFE];
	[sflag:s5] =	ssyncadd.remote.s32 @!p0 $0x1  }
0xb4: {  	s26 =	simm.s32 $execute0_lowered;
	[smem:$0x3FD2] =	sst s25  }
0xb5: {  	s6 =	sshll.u32 s26, $0x1;
	_ =	strace $0x80000049;
	[dreg:$0x1] =	wrdreg $0xFFFFFFFF  }
0xb6: {  	s28 =	simm.s32 $_size_execute0_lowered;
	s4 =	sadd.s32 s4, s6;
	[dreg:$0x0] =	wrdreg $0x0  }
0xb7: {  	s6 =	sshll.u32 s28, $0x1;
	[dreg:$0x2] =	wrdreg s4  }
0xb8: {  	[dreg:$0x3] =	wrdreg s6  }
0xb9: {  	[dreg:$0x4] =	wrdreg $0xC0  }
0xba: {  	_ =	task [dreg:s22], $0x5FFFF  }
0xbb: {  	[dreg:$0x1] =	wrdreg $0xFFFFFFFF  }
0xbc: {  	[dreg:$0x0] =	wrdreg $0x60  }
0xbd: {  	[dreg:$0x2] =	wrdreg s24  }
0xbe: {  	[dreg:$0x3] =	wrdreg s18  }
0xbf: {  	[dreg:$0x4] =	wrdreg $0x9  }
0xc0: {  	_ =	task.clear_ibuf [dreg:s22], $0x5FFFF;
	_ =	strace $0x90000049  }
0xc1: {  	s29 =	simm.s32 $0x9;
	_ =	strace $0x8000004B  }
0xc2: {  	_ =	swait.ge [sflag:s29], $0x1  }
0xc3: {  	[sflag:s29] =	ssyncadd.s32 $0xFFFFFFFF  }
0xc4: {  	_ =	strace $0x9000004B  }
0xc5: {  	_ =	sfence  }
0xc6: {  	s30 =	sld [smem:$0x0];
	_ =	sdelay $0x2  }
0xc7: {  	s31 =	sshll.u32 s1, $0xD;
	s1 =	sshrl.u32 s1, $0x2  }
0xc8: {  	s4 =	sand.u32 $0x4000, s31;
	s1 =	sadd.s32 s1, s30  }
0xc9: {  	s0 =	sor.u32 s4, s0;
	s1 =	sshll.u32 s1, $0x11  }
0xca: {  	s0 =	sor.u32 s1, s0  }
0xcb: {  	s0 =	sadd.s32 $0x8F2B, s0  }
0xcc: {  	[sflag:s0] =	ssyncadd.remote.s32 $0x1  }
0xcd: {  	_ =	sfence.sel $0xFFFF  }
0xce: {  	[dreg:$0x0] =	wrdreg $0xFFFFFFFF;
	(pc) =	sbr.abs _section_cstart, $3  }
0xcf: {  	[dreg:$0x1] =	wrdreg $0xFFFFFFFF  }
0xd0: {  	_ =	task.clear_ibuf [dreg:s22], $0x2FFFF;
	_ =	strace $0x9FFFFFFF  }
0xd1: {  	(tm) =	ssettm $0x7FFFFFFF  }
tec
execute0_lowered:
.L_overlay_start_1:
0x0: {  	(tag) =	ssettag $0x1  }
0x1: {  	s7 =	rddreg [dreg:$0x0]  }
0x2: {  	s2 =	rddreg [dreg:$0x1]  }
0x3: {  	s0 =	rddreg [dreg:$0x2]  }
0x4: {  	s1 =	srdreg.scid;
	_ =	strace $0x8000004A;
	s4 =	simm.s32 $0x1  }
0x5: {  	s9 =	simm.s32 $0x3;
	s11 =	simm.s32 $0x0;
	s5 =	sshll.u32 s1, $0x4  }
.Ltmp0:
0x6: {  	s1 =	stileid.u32;
	s5 =	sand.u32 $0x10, s5;
	(pc) =	sbr.rel .LBB2_1-.Ltmp0, $4  }
0x7: {  	p0 =	por $0x0, $0x0;
	s3 =	sadd.s32 $0x9200, s7;
	s6 =	sor.u32 s1, s5  }
0x8: {  	[sflag:s4] =	ssyncpa.u1 $0x0;
	s5 =	simm.s32 $0x2;
	s6 =	sshll.u32 s6, $0x6  }
0x9: {  	s7 =	sadd.s32 $0x9000, s7;
	[sflag:s5] =	ssyncpa.u1 $0x0;
	s8 =	sadd.s32 $0x40, s6  }
0xa: {  	vm0 =	vmmov $0xff;
	vm1 =	vcmask $0x3F20;
	[sflag:s9] =	ssyncpa.u1 $0x0;
	s10 =	smov.u32 s6;
	s9 =	simm.s32 $0x0  }
.LBB2_9:
0xb: {  	p1 =	slt.u32 s9, $0x2;
	s11 =	sadd.s32 $0x20, s10  }
0xc: {  	s13 =	smov.u32 s6;
	s9 =	sadd.s32 $0x1, s9;
	p2 =	slt.s32 s11, s8  }
0xd: {  	s13 =	smov.u32 @p2 s11;
	p2 =	sne.s32 s9, $0x4  }
.Ltmp1:
0xe: {  	_ = 	snop;
	(pc) =	sbr.rel @!p2 .LBB2_10-.Ltmp1, $4  }
0xf: {  	s12 =	simm.s32 @!p1 $0x3  }
0x10: {  	_ =	swait.ge @!p1 [sflag:s12], $0x8000  }
0x11: {  	p0 =	por !p0, !p0;
	[sflag:s12] =	ssyncset.done @!p1 $0x0  }
0x12: {  	s11 =	smov.u32 s10;
	s10 =	smov.u32 s13;
	[sflag:s12] =	ssyncadd.s32 @!p1 $0xFFFF8000  }
.LBB2_1:
0x13: {  	p1 =	sgt.u32 s9, $0x1  }
0x14: {  	s12 =	sshll.u32 @!p1 s9, $0x5;
	s13 =	sshrl.u32 @!p1 s10, $0x3  }
0x15: {  	s14 =	sand.u32 @!p1 $0x7, s10;
	s12 =	sxor.u32 @!p1 $0x20, s12;
	s13 =	sadd.s32 @!p1 s7, s13  }
0x16: {  	[tilespmem:s12], [sflag:$0x2] =	stream.linear.gather @!p1 [hbm4b:s13+s14], $0x20, $0x38;
	[tilespmem:$0x10040] =	vst v63  }
0x17: {  	p1 =	seq.s32 s9, $0x0  }
0x18: {  	p2 =	seq.s32 @!p1 s9, $0x3  }
0x19: {  	p1 =	por p1, p2  }
.Ltmp2:
0x1a: {  	_ = 	snop;
	(pc) =	sbr.rel @p1 .LBB2_9-.Ltmp2, $1  }
0x1b: {  	_ =	sdelay $0x3  }
0x1c: {  	s12 =	simm.s32 $0x1  }
0x1d: {  	_ =	swait.ge [sflag:s5], $0x20;
	s13 =	sand.u32 $0x1, s9;
	s12 =	simm.s32 @!p0 $0x0  }
0x1e: {  	s15 =	simm.s32 $0x0;
	p2 =	por $0x1, $0x1;
	s12 =	sshll.u32 s12, $0x11  }
0x1f: {  	[sflag:s5] =	ssyncset.done $0x0;
	s13 =	sshll.u32 s13, $0x5;
	s14 =	sshrl.u32 s12, $0x2  }
0x20: {  	[sflag:s5] =	ssyncadd.s32 $0xFFFFFFE0;
	s12 =	sor.u32 $0x40, s14;
	s14 =	sadd.s32 $0x40, s14  }
.LBB2_3:
0x21: {  	s16 =	sshll.u32 s15, $0x4  }
0x22: {  	s16 =	sand.u32 $0x3FFFFFF0, s16  }
0x23: {  	s16 =	sadd.s32 s16, s13  }
0x24: {  	v0 =	vld.msk [tilespmem:s16+$0x0 ss:$0x1], $0xffff;
	_ =	sdelay $0x4  }
0x25: {  	vm2 =	vgt.s32 v0, $0x0  }
0x26: {  	v0 =	vnsel vm2, $0x0, v0  }
0x27: {  	v0 =	vmin.u32 v0, $0x13FF  }
0x28: {  	v1 =	vshll.u32 v0, $0x7;
	v0 =	vshll.u32 v0, $0x4  }
0x29: {  	v1 =	vand.u32 $0xFFC00, v1;
	v0 =	vand.u32 $0x70, v0  }
0x2a: {  	v0 =	vor.u32 v0, v1  }
0x2b: {  	s31 =	sshll.u32 s15, $0x10  }
0x2c: {  	s15 =	sshra.s32 s31, $0x2  }
0x2d: {  	s15 =	sadd.s32 s15, s14  }
0x2e: {  	s17 =	sadd.s32 $0x0, s15  }
0x2f: {  	[tilespmem:s17], [sflag:$0x1] =	stream.indirect_vreg.gather [hbm:s3], $0x80, v0, vm0, $0x38;
	[tilespmem:$0x10040] =	vst v63  }
0x30: {  	p1 =	por p2, p2;
	s16 =	simm.s32 $0x1000;
	v1 =	vadd.s32 $0x80, v0;
	s17 =	sadd.s32 $0x2000, s17  }
.LBB2_4:
0x31: {  	[tilespmem:s17], [sflag:$0x1] =	stream.indirect_vreg.gather [hbm:s3], $0x80, v0, vm1, $0x38;
	[tilespmem:$0x10040] =	vst v63  }
0x32: {  	v0 =	vmov v1;
	s17 =	smov.u32 s16;
	p2 =	sne.s32 s16, $0x7000  }
.Ltmp3:
0x33: {  	s16 =	sadd.s32 $0x1000, s16;
	(pc) =	sbr.rel @p2 .LBB2_4-.Ltmp3, $4  }
0x34: {  	s17 =	sshra.s32 s17, $0x2  }
0x35: {  	s17 =	sadd.s32 s17, s15  }
0x36: {  	[tilespmem:s17], [sflag:$0x1] =	stream.indirect_vreg.gather [hbm:s3], $0x80, v1, vm0, $0x38;
	[tilespmem:$0x10040] =	vst v63  }
0x37: {  	s17 =	sadd.s32 $0x2000, s17;
	v1 =	vadd.s32 $0x80, v1  }
0x38: {  	_ = 	snop  }
.Ltmp4:
0x39: {  	_ = 	snop;
	(pc) =	sbr.rel @p1 .LBB2_3-.Ltmp4, $3  }
0x3a: {  	_ =	sdelay $0x1  }
0x3b: {  	[tilespmem:s17], [sflag:$0x1] =	stream.indirect_vreg.gather [hbm:s3], $0x80, v0, vm1, $0x38;
	[tilespmem:$0x10040] =	vst v63  }
0x3c: {  	s15 =	simm.s32 $0x1;
	p2 =	por $0x0, $0x0  }
0x3d: {  	s13 =	sshll.u32 s11, $0x7  }
0x3e: {  	s31 =	sshll.u32 s11, $0x4;
	s13 =	sand.u32 $0xFFFFFC00, s13  }
0x3f: {  	_ =	swait.ge [sflag:s4], $0x8000;
	s11 =	sand.u32 $0x70, s31;
	s13 =	sadd.s32 s13, s2  }
0x40: {  	s14 =	sadd.s32 $0x2000, s12;
	[sflag:s4] =	ssyncset.done $0x0;
	s11 =	sadd.s32 s11, s13  }
0x41: {  	[sflag:s4] =	ssyncadd.s32 $0xFFFF8000;
	s13 =	simm.s32 $0x400;
	s15 =	sadd.s32 $0x0, s11  }
.LBB2_7:
0x42: {  	[hbm:s15] =	stream.linear.scatter [tilespmem:s12], [sflag:$0x3], $0x2000, $0x38;
	[tilespmem:$0x10040] =	vst v63  }
0x43: {  	s15 =	smov.u32 s13;
	s12 =	smov.u32 s14;
	p1 =	sne.s32 s13, $0xC00  }
.Ltmp5:
0x44: {  	s13 =	sadd.s32 $0x400, s13;
	(pc) =	sbr.rel @p1 .LBB2_7-.Ltmp5, $2  }
0x45: {  	_ =	sdelay $0x2  }
0x46: {  	s14 =	sadd.s32 $0x2000, s14;
	s15 =	sadd.s32 s15, s11  }
.Ltmp6:
0x47: {  	(pc) =	sbr.rel .LBB2_9-.Ltmp6, $2  }
0x48: {  	_ =	sdelay $0x2  }
0x49: {  	[hbm:s15] =	stream.linear.scatter [tilespmem:s12], [sflag:$0x3], $0x2000, $0x38;
	[tilespmem:$0x10040] =	vst v63  }
.LBB2_10:
0x4a: {  	_ =	sfence.sel $0x180000  }
0x4b: {  	s2 =	simm.s32 $0x2;
	[bflag:$0x0] =	sbarrier.arrive $0xFFFF  }
0x4c: {  	s30 =	simm.s32 $0x3;
	[sflag:s2] =	ssyncpa.u1 $0x1  }
0x4d: {  	s31 =	simm.s32 $0x1;
	[sflag:s30] =	ssyncpa.u1 $0x1  }
0x4e: {  	[sflag:s31] =	ssyncpa.u1 $0x1  }
0x4f: {  	p0 =	sne.s32 s1, $0x0;
	_ =	strace $0x9000004A  }
0x50: {  	s0 =	sadd.s32 @!p0 $0x100000, s0;
	[bflag:$0x2] =	sbarrier.arrive $0xFFFF  }
0x51: {  	[sflag:s0] =	ssyncadd.tile.s32 @!p0 $0x1;
	_ =	shalt  }
.Lfunc_end2:
_tile_overlayer_lowered:
.L_overlay_start_2:
0x52: {  	(tag) =	ssettag $0x2  }
0x53: {  	s0 =	rddreg [dreg:$0x0];
	s2 =	stileid.u32  }
0x54: {  	s1 =	rddreg [dreg:$0x1];
	p0 =	sne.s32 s2, $0x0  }
0x55: {  	s3 =	rddreg [dreg:$0x2];
	[bflag:$0x3] =	sbarrier.arrive $0xFFFF;
	s2 =	simm.s32 @!p0 $0x1C01  }
0x56: {  	[timem:s3], [sflag:s2] =	dma.local @!p0 [hbm:s0], s1  }
0x57: {  	s0 =	simm.s32 @!p0 $0x1  }
0x58: {  	_ =	swait.ge @!p0 [sflag:s0], s1  }
0x59: {  	s1 =	ssub.s32 @!p0 $0x0, s1;
	[sflag:s0] =	ssyncset.done @!p0 $0x0  }
0x5a: {  	[sflag:s0] =	ssyncadd.s32 @!p0 s1  }
0x5b: {  	[bflag:$0x3] =	sbarrier.arrive $0xFFFF  }
0x5c: {  	_ =	shalt  }

</sc_bundles>
